<compile_context>
chip_gen: v7x
topology: tpu7x:2x2x1
jax: 0.10.2.dev20260603
libtpu: 0.0.44.dev20260713+nightly
codegen_flags: <defaults>
</compile_context>

<pallas_src>
import functools

import jax
import jax.numpy as jnp
from jax import lax
from jax.experimental import pallas as pl
from jax.experimental.pallas import tpu as pltpu
from jax.experimental.pallas import tpu_sc as plsc

NC = 2
NS = 16
LN = 16


def _make_sc_kernel(B, L, V, D):
    NW = NC * NS
    assert B % NW == 0
    b_per_w = B // NW
    DQ = 16
    NQ = D // DQ
    n_chunks = L // LN

    mesh = plsc.VectorSubcoreMesh(
        core_axis_name="c", subcore_axis_name="s",
        num_cores=NC, num_subcores=NS,
    )

    @functools.partial(
        pl.kernel,
        out_type=jax.ShapeDtypeStruct((B, D, L), jnp.float32),
        mesh=mesh,
        compiler_params=pltpu.CompilerParams(needs_layout_passes=False),
        scratch_types=[
            pltpu.VMEM((2 * L,), jnp.int32),
            pltpu.VMEM((V * D * LN,), jnp.float32),
            pltpu.VMEM((LN,), jnp.int32),
            pltpu.VMEM((DQ, L), jnp.float32),
            pltpu.VMEM((DQ, L), jnp.float32),
            pltpu.SemaphoreType.DMA,
            pltpu.SemaphoreType.DMA,
            pltpu.SemaphoreType.DMA,
        ],
    )
    def sc_embed(x_hbm, tab_hbm, iot_hbm, out_hbm, idx_v, tab_v, iot_v,
                 obuf_a, obuf_b, sem0, sem1, sem_idx):
        wid = lax.axis_index("s") * NC + lax.axis_index("c")
        sems = [sem0, sem1]
        pltpu.sync_copy(iot_hbm, iot_v)
        lane_iota = iot_v[...]
        pltpu.sync_copy(tab_hbm, tab_v)
        pltpu.async_copy(x_hbm.at[pl.ds(wid * b_per_w * L, L)],
                         idx_v.at[pl.ds(0, L)], sem_idx)

        def b_body(i, carry):
            b = wid * b_per_w + i
            pbase = (i % 2) * L
            pltpu.make_async_copy(x_hbm.at[pl.ds(0, L)],
                                  idx_v.at[pl.ds(0, L)], sem_idx).wait()
            @pl.when(i + 1 < b_per_w)
            def _prefetch():
                pltpu.async_copy(x_hbm.at[pl.ds((b + 1) * L, L)],
                                 idx_v.at[pl.ds(L - pbase, L)], sem_idx)
            for q in range(NQ):
                p = q % 2
                buf = (obuf_a, obuf_b)[p]

                def drain():
                    pltpu.make_async_copy(
                        buf, out_hbm.at[0, pl.ds(0, DQ), :], sems[p]).wait()

                if q >= 2:
                    drain()
                else:
                    pl.when(i > 0)(drain)

                def c_body(cc, carry2):
                    lo = cc * LN
                    base = (idx_v[pl.ds(pbase + lo, LN)] * (D * LN)
                            + lane_iota + (q * DQ * LN))
                    rows = [plsc.load_gather(tab_v, [base + dd * LN])
                            for dd in range(DQ)]
                    for dd in range(DQ):
                        buf[dd, pl.ds(lo, LN)] = rows[dd]
                    return carry2
                lax.fori_loop(0, n_chunks, c_body, 0, unroll=2)
                pltpu.async_copy(
                    buf, out_hbm.at[b, pl.ds(q * DQ, DQ), :], sems[p])
            return carry
        lax.fori_loop(0, b_per_w, b_body, 0)
        for p in range(2):
            pltpu.make_async_copy(
                (obuf_a, obuf_b)[p],
                out_hbm.at[0, pl.ds(0, DQ), :], sems[p]).wait()

    return sc_embed


def kernel(x, table):
    B, L = x.shape
    V, D = table.shape
    sc_embed = _make_sc_kernel(B, L, V, D)
    tab_rep = jnp.tile(table.reshape(V * D, 1), (1, LN)).reshape(-1)
    iot = jnp.arange(LN, dtype=jnp.int32)
    return sc_embed(x.reshape(-1), tab_rep, iot)

# --- scband reference (transcript-rebuilt; emitter-appended) ---
"""Pipeline reference for scband-dnaembedding-2190433321788 (READ-ONLY COPY).

The authoritative reference and input builder live on the scoring server;
editing this copy changes nothing except your own understanding.
"""

import jax, jax.numpy as jnp
import numpy as np

NUM_NUCLEOTIDES = 8
EMBED_DIM = 64
BATCH = 1024
SEQ_LEN = 2048


def setup_inputs(seed: int = 0) -> dict:
    key = jax.random.key(seed)
    k_idx, k_tab = jax.random.split(key)
    x = jax.random.randint(k_idx, (BATCH, SEQ_LEN), 0, NUM_NUCLEOTIDES, dtype=jnp.int32)
    # nn.Embedding default init: N(0, 1)
    table = jax.random.normal(k_tab, (NUM_NUCLEOTIDES, EMBED_DIM), dtype=jnp.float32)
    return {"x": x, "table": table}


def reference(x, table):
    # embedded = self.embedding(x) -> [B, L, D]
    embedded = jnp.take(table, x, axis=0)
    # return embedded.transpose(1, 2) -> [B, D, L]
    return jnp.transpose(embedded, (0, 2, 1))

if __name__ == "__main__":
    import jax
    _d = setup_inputs()
    print(jax.jit(kernel)(*tuple(_d.values())))

</pallas_src>

<mosaic_0001>
#map = affine_map<(d0, d1) -> (0)>
#map1 = affine_map<(d0, d1) -> (0, 0, 0)>
module attributes {stable_mosaic.version = 14 : i64} {
  func.func @sc_embed(%arg0: i32, %arg1: i32, %arg2: memref<2097152xi32, #tpu.memory_space<hbm>>, %arg3: memref<8192xf32, #tpu.memory_space<hbm>>, %arg4: memref<16xi32, #tpu.memory_space<hbm>>, %arg5: memref<1024x64x2048xf32, #tpu.memory_space<hbm>>, %arg6: memref<4096xi32, #tpu.memory_space<vmem>>, %arg7: memref<8192xf32, #tpu.memory_space<vmem>>, %arg8: memref<16xi32, #tpu.memory_space<vmem>>, %arg9: memref<16x2048xf32, #tpu.memory_space<vmem>>, %arg10: memref<16x2048xf32, #tpu.memory_space<vmem>>, %arg11: memref<!tpu.dma_semaphore, #tpu.memory_space<semaphore_mem>>, %arg12: memref<!tpu.dma_semaphore, #tpu.memory_space<semaphore_mem>>, %arg13: memref<!tpu.dma_semaphore, #tpu.memory_space<semaphore_mem>>) attributes {dimension_semantics = [#tpu.dimension_semantics<core_parallel>, #tpu.dimension_semantics<subcore_parallel>], iteration_bounds = array<i64: 2, 16>, scalar_prefetch = 0 : i64, scratch_operands = 8 : i64, tpu.core_type = #tpu.core_type<sc_vector_subcore>, window_params = [{transform_indices = #map}, {transform_indices = #map}, {transform_indices = #map}, {transform_indices = #map1}]} {
    %mul3A = arith.constant 2 : i32
    %mul3A_0 = arith.muli %arg1, %mul3A : i32
    %add3A = arith.addi %mul3A_0, %arg0 : i32
    "tpu.region"() ({
      %run_scoped3A = tpu.sem_alloc : memref<!tpu.dma_semaphore, #tpu.memory_space<semaphore_mem>>
      tpu.enqueue_dma source(%arg4 : memref<16xi32, #tpu.memory_space<hbm>>) target(%arg8 : memref<16xi32, #tpu.memory_space<vmem>>) target_semaphore(%run_scoped3A : memref<!tpu.dma_semaphore, #tpu.memory_space<semaphore_mem>>)
      tpu.wait_dma2 semaphore(%run_scoped3A : memref<!tpu.dma_semaphore, #tpu.memory_space<semaphore_mem>>) src(%arg4 : memref<16xi32, #tpu.memory_space<hbm>>) dst(%arg8 : memref<16xi32, #tpu.memory_space<vmem>>)
      tpu.yield
    }) : () -> ()
    %get3A = arith.constant 0 : index
    %get3A_1 = tpu.vector_load %arg8[%get3A] {strides = array<i32>} : memref<16xi32, #tpu.memory_space<vmem>>, vector<16xi32>,
    "tpu.region"() ({
      %run_scoped3A = tpu.sem_alloc : memref<!tpu.dma_semaphore, #tpu.memory_space<semaphore_mem>>
      tpu.enqueue_dma source(%arg3 : memref<8192xf32, #tpu.memory_space<hbm>>) target(%arg7 : memref<8192xf32, #tpu.memory_space<vmem>>) target_semaphore(%run_scoped3A : memref<!tpu.dma_semaphore, #tpu.memory_space<semaphore_mem>>)
      tpu.wait_dma2 semaphore(%run_scoped3A : memref<!tpu.dma_semaphore, #tpu.memory_space<semaphore_mem>>) src(%arg3 : memref<8192xf32, #tpu.memory_space<hbm>>) dst(%arg7 : memref<8192xf32, #tpu.memory_space<vmem>>)
      tpu.yield
    }) : () -> ()
    %mul3A_2 = arith.constant 32 : i32
    %mul3A_3 = arith.muli %add3A, %mul3A_2 : i32
    %mul3A_4 = arith.constant 2048 : i32
    %mul3A_5 = arith.muli %mul3A_3, %mul3A_4 : i32
    %dma_start3A = arith.constant 0 : i32
    %dma_start3A_6 = tpu.memref_slice %arg6[%dma_start3A] : memref<4096xi32, #tpu.memory_space<vmem>> -> memref<2048xi32, #tpu.memory_space<vmem>>
    %dma_start3A_7 = tpu.memref_slice %arg2[%mul3A_5] : memref<2097152xi32, #tpu.memory_space<hbm>> -> memref<2048xi32, #tpu.memory_space<hbm>>
    %dma_start3A_8 = arith.constant 0 : i32
    %dma_start3A_9 = tpu.memref_slice %arg6[%dma_start3A_8] : memref<4096xi32, #tpu.memory_space<vmem>> -> memref<2048xi32, #tpu.memory_space<vmem>>
    %dma_start3A_10 = tpu.memref_slice %arg2[%mul3A_5] : memref<2097152xi32, #tpu.memory_space<hbm>> -> memref<2048xi32, #tpu.memory_space<hbm>>
    tpu.enqueue_dma source(%dma_start3A_10 : memref<2048xi32, #tpu.memory_space<hbm>>) target(%dma_start3A_9 : memref<2048xi32, #tpu.memory_space<vmem>>) target_semaphore(%arg13 : memref<!tpu.dma_semaphore, #tpu.memory_space<semaphore_mem>>)
    %scan3A = arith.constant 0 : i32
    %scan3A_11 = arith.constant 0 : i32
    %scan3A_12 = arith.constant 32 : i32
    %scan3A_13 = arith.addi %scan3A_11, %scan3A_12 : i32
    %scan3A_14 = arith.constant 1 : i32
    scf.for %scan3A_33 = %scan3A_11 to %scan3A_13 step %scan3A_14  : i32 {
      %mul3A_34 = arith.constant 32 : i32
      %mul3A_35 = arith.muli %add3A, %mul3A_34 : i32
      %add3A_36 = arith.addi %mul3A_35, %scan3A_33 : i32
      %jit3A = arith.constant 2 : i32
      %eq3A = arith.constant 0 : i32
      %eq3A_37 = arith.cmpi eq, %jit3A, %eq3A : i32
      %jit3A_38 = arith.constant 1 : i32
      %select_n3A = arith.select %eq3A_37, %jit3A_38, %jit3A : i32
      %rem3A = arith.remsi %scan3A_33, %select_n3A : i32
      %ne3A = arith.constant 0 : i32
      %ne3A_39 = arith.cmpi ne, %rem3A, %ne3A : i32
      %lt3A = arith.constant 0 : i32
      %lt3A_40 = arith.cmpi slt, %rem3A, %lt3A : i32
      %lt3A_41 = arith.constant 0 : i32
      %lt3A_42 = arith.cmpi slt, %select_n3A, %lt3A_41 : i32
      %ne3A_43 = arith.xori %lt3A_40, %lt3A_42 : i1
      %and3A = arith.andi %ne3A_43, %ne3A_39 : i1
      %add3A_44 = arith.addi %rem3A, %select_n3A : i32
      %select_n3A_45 = arith.select %and3A, %add3A_44, %rem3A : i32
      %mul3A_46 = arith.constant 2048 : i32
      %mul3A_47 = arith.muli %select_n3A_45, %mul3A_46 : i32
      %dma_wait3A_48 = arith.constant 0 : i32
      %dma_wait3A_49 = tpu.memref_slice %arg6[%dma_wait3A_48] : memref<4096xi32, #tpu.memory_space<vmem>> -> memref<2048xi32, #tpu.memory_space<vmem>>
      %dma_wait3A_50 = arith.constant 0 : i32
      %dma_wait3A_51 = tpu.memref_slice %arg2[%dma_wait3A_50] : memref<2097152xi32, #tpu.memory_space<hbm>> -> memref<2048xi32, #tpu.memory_space<hbm>>
      %dma_wait3A_52 = arith.constant 0 : i32
      %dma_wait3A_53 = tpu.memref_slice %arg6[%dma_wait3A_52] : memref<4096xi32, #tpu.memory_space<vmem>> -> memref<2048xi32, #tpu.memory_space<vmem>>
      %dma_wait3A_54 = arith.constant 0 : i32
      %dma_wait3A_55 = tpu.memref_slice %arg2[%dma_wait3A_54] : memref<2097152xi32, #tpu.memory_space<hbm>> -> memref<2048xi32, #tpu.memory_space<hbm>>
      tpu.wait_dma2 semaphore(%arg13 : memref<!tpu.dma_semaphore, #tpu.memory_space<semaphore_mem>>) src(%dma_wait3A_55 : memref<2048xi32, #tpu.memory_space<hbm>>) dst(%dma_wait3A_53 : memref<2048xi32, #tpu.memory_space<vmem>>)
      %add3A_56 = arith.constant 1 : i32
      %add3A_57 = arith.addi %scan3A_33, %add3A_56 : i32
      %lt3A_58 = arith.constant 32 : i32
      %lt3A_59 = arith.cmpi slt, %add3A_57, %lt3A_58 : i32
      %convert_element_type3A = arith.extui %lt3A_59 : i1 to i32
      %cond3A = arith.constant 0 : i32
      %cond3A_60 = arith.cmpi ne, %convert_element_type3A, %cond3A : i32
      scf.if %cond3A_60 {
        %add3A_144 = arith.constant 1 : i32
        %add3A_145 = arith.addi %add3A_36, %add3A_144 : i32
        %mul3A_146 = arith.constant 2048 : i32
        %mul3A_147 = arith.muli %add3A_145, %mul3A_146 : i32
        %sub3A = arith.constant 2048 : i32
        %sub3A_148 = arith.subi %sub3A, %mul3A_47 : i32
        %dma_start3A_149 = tpu.memref_slice %arg6[%sub3A_148] : memref<4096xi32, #tpu.memory_space<vmem>> -> memref<2048xi32, #tpu.memory_space<vmem>>
        %dma_start3A_150 = tpu.memref_slice %arg2[%mul3A_147] : memref<2097152xi32, #tpu.memory_space<hbm>> -> memref<2048xi32, #tpu.memory_space<hbm>>
        %dma_start3A_151 = tpu.memref_slice %arg6[%sub3A_148] : memref<4096xi32, #tpu.memory_space<vmem>> -> memref<2048xi32, #tpu.memory_space<vmem>>
        %dma_start3A_152 = tpu.memref_slice %arg2[%mul3A_147] : memref<2097152xi32, #tpu.memory_space<hbm>> -> memref<2048xi32, #tpu.memory_space<hbm>>
        tpu.enqueue_dma source(%dma_start3A_152 : memref<2048xi32, #tpu.memory_space<hbm>>) target(%dma_start3A_151 : memref<2048xi32, #tpu.memory_space<vmem>>) target_semaphore(%arg13 : memref<!tpu.dma_semaphore, #tpu.memory_space<semaphore_mem>>)
      } else {
      }
      %gt3A = arith.constant 0 : i32
      %gt3A_61 = arith.cmpi sgt, %scan3A_33, %gt3A : i32
      %convert_element_type3A_62 = arith.extui %gt3A_61 : i1 to i32
      %cond3A_63 = arith.constant 0 : i32
      %cond3A_64 = arith.cmpi ne, %convert_element_type3A_62, %cond3A_63 : i32
      scf.if %cond3A_64 {
        %dma_wait3A_144 = arith.constant 0 : i32
        %dma_wait3A_145 = arith.constant 0 : i32
        %dma_wait3A_146 = arith.constant 0 : i32
        %dma_wait3A_147 = tpu.memref_slice %arg5[%dma_wait3A_144, %dma_wait3A_145, %dma_wait3A_146] : memref<1024x64x2048xf32, #tpu.memory_space<hbm>> -> memref<1x16x2048xf32, #tpu.memory_space<hbm>>
        %dma_wait3A_148 = tpu.memref_squeeze %dma_wait3A_147 : memref<1x16x2048xf32, #tpu.memory_space<hbm>> -> memref<16x2048xf32, #tpu.memory_space<hbm>>
        %dma_wait3A_149 = arith.constant 0 : i32
        %dma_wait3A_150 = arith.constant 0 : i32
        %dma_wait3A_151 = tpu.memref_slice %arg5[%dma_wait3A_144, %dma_wait3A_149, %dma_wait3A_150] : memref<1024x64x2048xf32, #tpu.memory_space<hbm>> -> memref<1x16x2048xf32, #tpu.memory_space<hbm>>
        %dma_wait3A_152 = tpu.memref_squeeze %dma_wait3A_151 : memref<1x16x2048xf32, #tpu.memory_space<hbm>> -> memref<16x2048xf32, #tpu.memory_space<hbm>>
        tpu.wait_dma2 semaphore(%arg11 : memref<!tpu.dma_semaphore, #tpu.memory_space<semaphore_mem>>) src(%arg9 : memref<16x2048xf32, #tpu.memory_space<vmem>>) dst(%dma_wait3A_152 : memref<16x2048xf32, #tpu.memory_space<hbm>>)
      } else {
      }
      %scan3A_65 = arith.constant 0 : i32
      %scan3A_66 = arith.constant 0 : i32
      %scan3A_67 = arith.constant 128 : i32
      %scan3A_68 = arith.addi %scan3A_66, %scan3A_67 : i32
      %scan3A_69 = arith.constant 2 : i32
      scf.for %scan3A_144 = %scan3A_66 to %scan3A_68 step %scan3A_69  : i32 {
        %mul3A_145 = arith.constant 16 : i32
        %mul3A_146 = arith.muli %scan3A_144, %mul3A_145 : i32
        %add3A_147 = arith.addi %mul3A_47, %mul3A_146 : i32
        %get3A_148 = arith.index_cast %add3A_147 : i32 to index
        %get3A_149 = tpu.vector_load %arg6[%get3A_148] {strides = array<i32>} : memref<4096xi32, #tpu.memory_space<vmem>>, vector<16xi32>,
        %mul3A_150 = arith.constant 1024 : i32
        %mul3A_151 = vector.broadcast %mul3A_150 : i32 to vector<16xi32>
        %mul3A_152 = arith.muli %get3A_149, %mul3A_151 : vector<16xi32>
        %add3A_153 = arith.addi %mul3A_152, %get3A_1 : vector<16xi32>
        %add3A_154 = arith.constant 0 : i32
        %add3A_155 = vector.broadcast %add3A_154 : i32 to vector<16xi32>
        %add3A_156 = arith.addi %add3A_153, %add3A_155 : vector<16xi32>
        %add3A_157 = arith.constant 0 : i32
        %add3A_158 = vector.broadcast %add3A_157 : i32 to vector<16xi32>
        %add3A_159 = arith.addi %add3A_156, %add3A_158 : vector<16xi32>
        %gather3A = tpu.vector_load_idx %arg7[%add3A_159] : memref<8192xf32, #tpu.memory_space<vmem>>[vector<16xi32>], vector<16xf32>,
        %add3A_160 = arith.constant 16 : i32
        %add3A_161 = vector.broadcast %add3A_160 : i32 to vector<16xi32>
        %add3A_162 = arith.addi %add3A_156, %add3A_161 : vector<16xi32>
        %gather3A_163 = tpu.vector_load_idx %arg7[%add3A_162] : memref<8192xf32, #tpu.memory_space<vmem>>[vector<16xi32>], vector<16xf32>,
        %add3A_164 = arith.constant 32 : i32
        %add3A_165 = vector.broadcast %add3A_164 : i32 to vector<16xi32>
        %add3A_166 = arith.addi %add3A_156, %add3A_165 : vector<16xi32>
        %gather3A_167 = tpu.vector_load_idx %arg7[%add3A_166] : memref<8192xf32, #tpu.memory_space<vmem>>[vector<16xi32>], vector<16xf32>,
        %add3A_168 = arith.constant 48 : i32
        %add3A_169 = vector.broadcast %add3A_168 : i32 to vector<16xi32>
        %add3A_170 = arith.addi %add3A_156, %add3A_169 : vector<16xi32>
        %gather3A_171 = tpu.vector_load_idx %arg7[%add3A_170] : memref<8192xf32, #tpu.memory_space<vmem>>[vector<16xi32>], vector<16xf32>,
        %add3A_172 = arith.constant 64 : i32
        %add3A_173 = vector.broadcast %add3A_172 : i32 to vector<16xi32>
        %add3A_174 = arith.addi %add3A_156, %add3A_173 : vector<16xi32>
        %gather3A_175 = tpu.vector_load_idx %arg7[%add3A_174] : memref<8192xf32, #tpu.memory_space<vmem>>[vector<16xi32>], vector<16xf32>,
        %add3A_176 = arith.constant 80 : i32
        %add3A_177 = vector.broadcast %add3A_176 : i32 to vector<16xi32>
        %add3A_178 = arith.addi %add3A_156, %add3A_177 : vector<16xi32>
        %gather3A_179 = tpu.vector_load_idx %arg7[%add3A_178] : memref<8192xf32, #tpu.memory_space<vmem>>[vector<16xi32>], vector<16xf32>,
        %add3A_180 = arith.constant 96 : i32
        %add3A_181 = vector.broadcast %add3A_180 : i32 to vector<16xi32>
        %add3A_182 = arith.addi %add3A_156, %add3A_181 : vector<16xi32>
        %gather3A_183 = tpu.vector_load_idx %arg7[%add3A_182] : memref<8192xf32, #tpu.memory_space<vmem>>[vector<16xi32>], vector<16xf32>,
        %add3A_184 = arith.constant 112 : i32
        %add3A_185 = vector.broadcast %add3A_184 : i32 to vector<16xi32>
        %add3A_186 = arith.addi %add3A_156, %add3A_185 : vector<16xi32>
        %gather3A_187 = tpu.vector_load_idx %arg7[%add3A_186] : memref<8192xf32, #tpu.memory_space<vmem>>[vector<16xi32>], vector<16xf32>,
        %add3A_188 = arith.constant 128 : i32
        %add3A_189 = vector.broadcast %add3A_188 : i32 to vector<16xi32>
        %add3A_190 = arith.addi %add3A_156, %add3A_189 : vector<16xi32>
        %gather3A_191 = tpu.vector_load_idx %arg7[%add3A_190] : memref<8192xf32, #tpu.memory_space<vmem>>[vector<16xi32>], vector<16xf32>,
        %add3A_192 = arith.constant 144 : i32
        %add3A_193 = vector.broadcast %add3A_192 : i32 to vector<16xi32>
        %add3A_194 = arith.addi %add3A_156, %add3A_193 : vector<16xi32>
        %gather3A_195 = tpu.vector_load_idx %arg7[%add3A_194] : memref<8192xf32, #tpu.memory_space<vmem>>[vector<16xi32>], vector<16xf32>,
        %add3A_196 = arith.constant 160 : i32
        %add3A_197 = vector.broadcast %add3A_196 : i32 to vector<16xi32>
        %add3A_198 = arith.addi %add3A_156, %add3A_197 : vector<16xi32>
        %gather3A_199 = tpu.vector_load_idx %arg7[%add3A_198] : memref<8192xf32, #tpu.memory_space<vmem>>[vector<16xi32>], vector<16xf32>,
        %add3A_200 = arith.constant 176 : i32
        %add3A_201 = vector.broadcast %add3A_200 : i32 to vector<16xi32>
        %add3A_202 = arith.addi %add3A_156, %add3A_201 : vector<16xi32>
        %gather3A_203 = tpu.vector_load_idx %arg7[%add3A_202] : memref<8192xf32, #tpu.memory_space<vmem>>[vector<16xi32>], vector<16xf32>,
        %add3A_204 = arith.constant 192 : i32
        %add3A_205 = vector.broadcast %add3A_204 : i32 to vector<16xi32>
        %add3A_206 = arith.addi %add3A_156, %add3A_205 : vector<16xi32>
        %gather3A_207 = tpu.vector_load_idx %arg7[%add3A_206] : memref<8192xf32, #tpu.memory_space<vmem>>[vector<16xi32>], vector<16xf32>,
        %add3A_208 = arith.constant 208 : i32
        %add3A_209 = vector.broadcast %add3A_208 : i32 to vector<16xi32>
        %add3A_210 = arith.addi %add3A_156, %add3A_209 : vector<16xi32>
        %gather3A_211 = tpu.vector_load_idx %arg7[%add3A_210] : memref<8192xf32, #tpu.memory_space<vmem>>[vector<16xi32>], vector<16xf32>,
        %add3A_212 = arith.constant 224 : i32
        %add3A_213 = vector.broadcast %add3A_212 : i32 to vector<16xi32>
        %add3A_214 = arith.addi %add3A_156, %add3A_213 : vector<16xi32>
        %gather3A_215 = tpu.vector_load_idx %arg7[%add3A_214] : memref<8192xf32, #tpu.memory_space<vmem>>[vector<16xi32>], vector<16xf32>,
        %add3A_216 = arith.constant 240 : i32
        %add3A_217 = vector.broadcast %add3A_216 : i32 to vector<16xi32>
        %add3A_218 = arith.addi %add3A_156, %add3A_217 : vector<16xi32>
        %gather3A_219 = tpu.vector_load_idx %arg7[%add3A_218] : memref<8192xf32, #tpu.memory_space<vmem>>[vector<16xi32>], vector<16xf32>,
        %swap3A = arith.constant 0 : i32
        %swap3A_220 = arith.index_cast %swap3A : i32 to index
        %swap3A_221 = arith.index_cast %mul3A_146 : i32 to index
        %swap3A_222 = tpu.vector_load %arg9[%swap3A_220, %swap3A_221] {strides = array<i32>} : memref<16x2048xf32, #tpu.memory_space<vmem>>, vector<16xf32>,
        tpu.vector_store %arg9[%swap3A_220, %swap3A_221], %gather3A {strides = array<i32>} : memref<16x2048xf32, #tpu.memory_space<vmem>>, vector<16xf32>,
        %swap3A_223 = arith.constant 1 : i32
        %swap3A_224 = arith.index_cast %swap3A_223 : i32 to index
        %swap3A_225 = arith.index_cast %mul3A_146 : i32 to index
        %swap3A_226 = tpu.vector_load %arg9[%swap3A_224, %swap3A_225] {strides = array<i32>} : memref<16x2048xf32, #tpu.memory_space<vmem>>, vector<16xf32>,
        tpu.vector_store %arg9[%swap3A_224, %swap3A_225], %gather3A_163 {strides = array<i32>} : memref<16x2048xf32, #tpu.memory_space<vmem>>, vector<16xf32>,
        %swap3A_227 = arith.constant 2 : i32
        %swap3A_228 = arith.index_cast %swap3A_227 : i32 to index
        %swap3A_229 = arith.index_cast %mul3A_146 : i32 to index
        %swap3A_230 = tpu.vector_load %arg9[%swap3A_228, %swap3A_229] {strides = array<i32>} : memref<16x2048xf32, #tpu.memory_space<vmem>>, vector<16xf32>,
        tpu.vector_store %arg9[%swap3A_228, %swap3A_229], %gather3A_167 {strides = array<i32>} : memref<16x2048xf32, #tpu.memory_space<vmem>>, vector<16xf32>,
        %swap3A_231 = arith.constant 3 : i32
        %swap3A_232 = arith.index_cast %swap3A_231 : i32 to index
        %swap3A_233 = arith.index_cast %mul3A_146 : i32 to index
        %swap3A_234 = tpu.vector_load %arg9[%swap3A_232, %swap3A_233] {strides = array<i32>} : memref<16x2048xf32, #tpu.memory_space<vmem>>, vector<16xf32>,
        tpu.vector_store %arg9[%swap3A_232, %swap3A_233], %gather3A_171 {strides = array<i32>} : memref<16x2048xf32, #tpu.memory_space<vmem>>, vector<16xf32>,
        %swap3A_235 = arith.constant 4 : i32
        %swap3A_236 = arith.index_cast %swap3A_235 : i32 to index
        %swap3A_237 = arith.index_cast %mul3A_146 : i32 to index
        %swap3A_238 = tpu.vector_load %arg9[%swap3A_236, %swap3A_237] {strides = array<i32>} : memref<16x2048xf32, #tpu.memory_space<vmem>>, vector<16xf32>,
        tpu.vector_store %arg9[%swap3A_236, %swap3A_237], %gather3A_175 {strides = array<i32>} : memref<16x2048xf32, #tpu.memory_space<vmem>>, vector<16xf32>,
        %swap3A_239 = arith.constant 5 : i32
        %swap3A_240 = arith.index_cast %swap3A_239 : i32 to index
        %swap3A_241 = arith.index_cast %mul3A_146 : i32 to index
        %swap3A_242 = tpu.vector_load %arg9[%swap3A_240, %swap3A_241] {strides = array<i32>} : memref<16x2048xf32, #tpu.memory_space<vmem>>, vector<16xf32>,
        tpu.vector_store %arg9[%swap3A_240, %swap3A_241], %gather3A_179 {strides = array<i32>} : memref<16x2048xf32, #tpu.memory_space<vmem>>, vector<16xf32>,
        %swap3A_243 = arith.constant 6 : i32
        %swap3A_244 = arith.index_cast %swap3A_243 : i32 to index
        %swap3A_245 = arith.index_cast %mul3A_146 : i32 to index
        %swap3A_246 = tpu.vector_load %arg9[%swap3A_244, %swap3A_245] {strides = array<i32>} : memref<16x2048xf32, #tpu.memory_space<vmem>>, vector<16xf32>,
        tpu.vector_store %arg9[%swap3A_244, %swap3A_245], %gather3A_183 {strides = array<i32>} : memref<16x2048xf32, #tpu.memory_space<vmem>>, vector<16xf32>,
        %swap3A_247 = arith.constant 7 : i32
        %swap3A_248 = arith.index_cast %swap3A_247 : i32 to index
        %swap3A_249 = arith.index_cast %mul3A_146 : i32 to index
        %swap3A_250 = tpu.vector_load %arg9[%swap3A_248, %swap3A_249] {strides = array<i32>} : memref<16x2048xf32, #tpu.memory_space<vmem>>, vector<16xf32>,
        tpu.vector_store %arg9[%swap3A_248, %swap3A_249], %gather3A_187 {strides = array<i32>} : memref<16x2048xf32, #tpu.memory_space<vmem>>, vector<16xf32>,
        %swap3A_251 = arith.constant 8 : i32
        %swap3A_252 = arith.index_cast %swap3A_251 : i32 to index
        %swap3A_253 = arith.index_cast %mul3A_146 : i32 to index
        %swap3A_254 = tpu.vector_load %arg9[%swap3A_252, %swap3A_253] {strides = array<i32>} : memref<16x2048xf32, #tpu.memory_space<vmem>>, vector<16xf32>,
        tpu.vector_store %arg9[%swap3A_252, %swap3A_253], %gather3A_191 {strides = array<i32>} : memref<16x2048xf32, #tpu.memory_space<vmem>>, vector<16xf32>,
        %swap3A_255 = arith.constant 9 : i32
        %swap3A_256 = arith.index_cast %swap3A_255 : i32 to index
        %swap3A_257 = arith.index_cast %mul3A_146 : i32 to index
        %swap3A_258 = tpu.vector_load %arg9[%swap3A_256, %swap3A_257] {strides = array<i32>} : memref<16x2048xf32, #tpu.memory_space<vmem>>, vector<16xf32>,
        tpu.vector_store %arg9[%swap3A_256, %swap3A_257], %gather3A_195 {strides = array<i32>} : memref<16x2048xf32, #tpu.memory_space<vmem>>, vector<16xf32>,
        %swap3A_259 = arith.constant 10 : i32
        %swap3A_260 = arith.index_cast %swap3A_259 : i32 to index
        %swap3A_261 = arith.index_cast %mul3A_146 : i32 to index
        %swap3A_262 = tpu.vector_load %arg9[%swap3A_260, %swap3A_261] {strides = array<i32>} : memref<16x2048xf32, #tpu.memory_space<vmem>>, vector<16xf32>,
        tpu.vector_store %arg9[%swap3A_260, %swap3A_261], %gather3A_199 {strides = array<i32>} : memref<16x2048xf32, #tpu.memory_space<vmem>>, vector<16xf32>,
        %swap3A_263 = arith.constant 11 : i32
        %swap3A_264 = arith.index_cast %swap3A_263 : i32 to index
        %swap3A_265 = arith.index_cast %mul3A_146 : i32 to index
        %swap3A_266 = tpu.vector_load %arg9[%swap3A_264, %swap3A_265] {strides = array<i32>} : memref<16x2048xf32, #tpu.memory_space<vmem>>, vector<16xf32>,
        tpu.vector_store %arg9[%swap3A_264, %swap3A_265], %gather3A_203 {strides = array<i32>} : memref<16x2048xf32, #tpu.memory_space<vmem>>, vector<16xf32>,
        %swap3A_267 = arith.constant 12 : i32
        %swap3A_268 = arith.index_cast %swap3A_267 : i32 to index
        %swap3A_269 = arith.index_cast %mul3A_146 : i32 to index
        %swap3A_270 = tpu.vector_load %arg9[%swap3A_268, %swap3A_269] {strides = array<i32>} : memref<16x2048xf32, #tpu.memory_space<vmem>>, vector<16xf32>,
        tpu.vector_store %arg9[%swap3A_268, %swap3A_269], %gather3A_207 {strides = array<i32>} : memref<16x2048xf32, #tpu.memory_space<vmem>>, vector<16xf32>,
        %swap3A_271 = arith.constant 13 : i32
        %swap3A_272 = arith.index_cast %swap3A_271 : i32 to index
        %swap3A_273 = arith.index_cast %mul3A_146 : i32 to index
        %swap3A_274 = tpu.vector_load %arg9[%swap3A_272, %swap3A_273] {strides = array<i32>} : memref<16x2048xf32, #tpu.memory_space<vmem>>, vector<16xf32>,
        tpu.vector_store %arg9[%swap3A_272, %swap3A_273], %gather3A_211 {strides = array<i32>} : memref<16x2048xf32, #tpu.memory_space<vmem>>, vector<16xf32>,
        %swap3A_275 = arith.constant 14 : i32
        %swap3A_276 = arith.index_cast %swap3A_275 : i32 to index
        %swap3A_277 = arith.index_cast %mul3A_146 : i32 to index
        %swap3A_278 = tpu.vector_load %arg9[%swap3A_276, %swap3A_277] {strides = array<i32>} : memref<16x2048xf32, #tpu.memory_space<vmem>>, vector<16xf32>,
        tpu.vector_store %arg9[%swap3A_276, %swap3A_277], %gather3A_215 {strides = array<i32>} : memref<16x2048xf32, #tpu.memory_space<vmem>>, vector<16xf32>,
        %swap3A_279 = arith.constant 15 : i32
        %swap3A_280 = arith.index_cast %swap3A_279 : i32 to index
        %swap3A_281 = arith.index_cast %mul3A_146 : i32 to index
        %swap3A_282 = tpu.vector_load %arg9[%swap3A_280, %swap3A_281] {strides = array<i32>} : memref<16x2048xf32, #tpu.memory_space<vmem>>, vector<16xf32>,
        tpu.vector_store %arg9[%swap3A_280, %swap3A_281], %gather3A_219 {strides = array<i32>} : memref<16x2048xf32, #tpu.memory_space<vmem>>, vector<16xf32>,
        %scan3A_283 = arith.constant 1 : i32
        %scan3A_284 = arith.addi %scan3A_144, %scan3A_283 : i32
        %mul3A_285 = arith.constant 16 : i32
        %mul3A_286 = arith.muli %scan3A_284, %mul3A_285 : i32
        %add3A_287 = arith.addi %mul3A_47, %mul3A_286 : i32
        %get3A_288 = arith.index_cast %add3A_287 : i32 to index
        %get3A_289 = tpu.vector_load %arg6[%get3A_288] {strides = array<i32>} : memref<4096xi32, #tpu.memory_space<vmem>>, vector<16xi32>,
        %mul3A_290 = arith.constant 1024 : i32
        %mul3A_291 = vector.broadcast %mul3A_290 : i32 to vector<16xi32>
        %mul3A_292 = arith.muli %get3A_289, %mul3A_291 : vector<16xi32>
        %add3A_293 = arith.addi %mul3A_292, %get3A_1 : vector<16xi32>
        %add3A_294 = arith.constant 0 : i32
        %add3A_295 = vector.broadcast %add3A_294 : i32 to vector<16xi32>
        %add3A_296 = arith.addi %add3A_293, %add3A_295 : vector<16xi32>
        %add3A_297 = arith.constant 0 : i32
        %add3A_298 = vector.broadcast %add3A_297 : i32 to vector<16xi32>
        %add3A_299 = arith.addi %add3A_296, %add3A_298 : vector<16xi32>
        %gather3A_300 = tpu.vector_load_idx %arg7[%add3A_299] : memref<8192xf32, #tpu.memory_space<vmem>>[vector<16xi32>], vector<16xf32>,
        %add3A_301 = arith.constant 16 : i32
        %add3A_302 = vector.broadcast %add3A_301 : i32 to vector<16xi32>
        %add3A_303 = arith.addi %add3A_296, %add3A_302 : vector<16xi32>
        %gather3A_304 = tpu.vector_load_idx %arg7[%add3A_303] : memref<8192xf32, #tpu.memory_space<vmem>>[vector<16xi32>], vector<16xf32>,
        %add3A_305 = arith.constant 32 : i32
        %add3A_306 = vector.broadcast %add3A_305 : i32 to vector<16xi32>
        %add3A_307 = arith.addi %add3A_296, %add3A_306 : vector<16xi32>
        %gather3A_308 = tpu.vector_load_idx %arg7[%add3A_307] : memref<8192xf32, #tpu.memory_space<vmem>>[vector<16xi32>], vector<16xf32>,
        %add3A_309 = arith.constant 48 : i32
        %add3A_310 = vector.broadcast %add3A_309 : i32 to vector<16xi32>
        %add3A_311 = arith.addi %add3A_296, %add3A_310 : vector<16xi32>
        %gather3A_312 = tpu.vector_load_idx %arg7[%add3A_311] : memref<8192xf32, #tpu.memory_space<vmem>>[vector<16xi32>], vector<16xf32>,
        %add3A_313 = arith.constant 64 : i32
        %add3A_314 = vector.broadcast %add3A_313 : i32 to vector<16xi32>
        %add3A_315 = arith.addi %add3A_296, %add3A_314 : vector<16xi32>
        %gather3A_316 = tpu.vector_load_idx %arg7[%add3A_315] : memref<8192xf32, #tpu.memory_space<vmem>>[vector<16xi32>], vector<16xf32>,
        %add3A_317 = arith.constant 80 : i32
        %add3A_318 = vector.broadcast %add3A_317 : i32 to vector<16xi32>
        %add3A_319 = arith.addi %add3A_296, %add3A_318 : vector<16xi32>
        %gather3A_320 = tpu.vector_load_idx %arg7[%add3A_319] : memref<8192xf32, #tpu.memory_space<vmem>>[vector<16xi32>], vector<16xf32>,
        %add3A_321 = arith.constant 96 : i32
        %add3A_322 = vector.broadcast %add3A_321 : i32 to vector<16xi32>
        %add3A_323 = arith.addi %add3A_296, %add3A_322 : vector<16xi32>
        %gather3A_324 = tpu.vector_load_idx %arg7[%add3A_323] : memref<8192xf32, #tpu.memory_space<vmem>>[vector<16xi32>], vector<16xf32>,
        %add3A_325 = arith.constant 112 : i32
        %add3A_326 = vector.broadcast %add3A_325 : i32 to vector<16xi32>
        %add3A_327 = arith.addi %add3A_296, %add3A_326 : vector<16xi32>
        %gather3A_328 = tpu.vector_load_idx %arg7[%add3A_327] : memref<8192xf32, #tpu.memory_space<vmem>>[vector<16xi32>], vector<16xf32>,
        %add3A_329 = arith.constant 128 : i32
        %add3A_330 = vector.broadcast %add3A_329 : i32 to vector<16xi32>
        %add3A_331 = arith.addi %add3A_296, %add3A_330 : vector<16xi32>
        %gather3A_332 = tpu.vector_load_idx %arg7[%add3A_331] : memref<8192xf32, #tpu.memory_space<vmem>>[vector<16xi32>], vector<16xf32>,
        %add3A_333 = arith.constant 144 : i32
        %add3A_334 = vector.broadcast %add3A_333 : i32 to vector<16xi32>
        %add3A_335 = arith.addi %add3A_296, %add3A_334 : vector<16xi32>
        %gather3A_336 = tpu.vector_load_idx %arg7[%add3A_335] : memref<8192xf32, #tpu.memory_space<vmem>>[vector<16xi32>], vector<16xf32>,
        %add3A_337 = arith.constant 160 : i32
        %add3A_338 = vector.broadcast %add3A_337 : i32 to vector<16xi32>
        %add3A_339 = arith.addi %add3A_296, %add3A_338 : vector<16xi32>
        %gather3A_340 = tpu.vector_load_idx %arg7[%add3A_339] : memref<8192xf32, #tpu.memory_space<vmem>>[vector<16xi32>], vector<16xf32>,
        %add3A_341 = arith.constant 176 : i32
        %add3A_342 = vector.broadcast %add3A_341 : i32 to vector<16xi32>
        %add3A_343 = arith.addi %add3A_296, %add3A_342 : vector<16xi32>
        %gather3A_344 = tpu.vector_load_idx %arg7[%add3A_343] : memref<8192xf32, #tpu.memory_space<vmem>>[vector<16xi32>], vector<16xf32>,
        %add3A_345 = arith.constant 192 : i32
        %add3A_346 = vector.broadcast %add3A_345 : i32 to vector<16xi32>
        %add3A_347 = arith.addi %add3A_296, %add3A_346 : vector<16xi32>
        %gather3A_348 = tpu.vector_load_idx %arg7[%add3A_347] : memref<8192xf32, #tpu.memory_space<vmem>>[vector<16xi32>], vector<16xf32>,
        %add3A_349 = arith.constant 208 : i32
        %add3A_350 = vector.broadcast %add3A_349 : i32 to vector<16xi32>
        %add3A_351 = arith.addi %add3A_296, %add3A_350 : vector<16xi32>
        %gather3A_352 = tpu.vector_load_idx %arg7[%add3A_351] : memref<8192xf32, #tpu.memory_space<vmem>>[vector<16xi32>], vector<16xf32>,
        %add3A_353 = arith.constant 224 : i32
        %add3A_354 = vector.broadcast %add3A_353 : i32 to vector<16xi32>
        %add3A_355 = arith.addi %add3A_296, %add3A_354 : vector<16xi32>
        %gather3A_356 = tpu.vector_load_idx %arg7[%add3A_355] : memref<8192xf32, #tpu.memory_space<vmem>>[vector<16xi32>], vector<16xf32>,
        %add3A_357 = arith.constant 240 : i32
        %add3A_358 = vector.broadcast %add3A_357 : i32 to vector<16xi32>
        %add3A_359 = arith.addi %add3A_296, %add3A_358 : vector<16xi32>
        %gather3A_360 = tpu.vector_load_idx %arg7[%add3A_359] : memref<8192xf32, #tpu.memory_space<vmem>>[vector<16xi32>], vector<16xf32>,
        %swap3A_361 = arith.constant 0 : i32
        %swap3A_362 = arith.index_cast %swap3A_361 : i32 to index
        %swap3A_363 = arith.index_cast %mul3A_286 : i32 to index
        %swap3A_364 = tpu.vector_load %arg9[%swap3A_362, %swap3A_363] {strides = array<i32>} : memref<16x2048xf32, #tpu.memory_space<vmem>>, vector<16xf32>,
        tpu.vector_store %arg9[%swap3A_362, %swap3A_363], %gather3A_300 {strides = array<i32>} : memref<16x2048xf32, #tpu.memory_space<vmem>>, vector<16xf32>,
        %swap3A_365 = arith.constant 1 : i32
        %swap3A_366 = arith.index_cast %swap3A_365 : i32 to index
        %swap3A_367 = arith.index_cast %mul3A_286 : i32 to index
        %swap3A_368 = tpu.vector_load %arg9[%swap3A_366, %swap3A_367] {strides = array<i32>} : memref<16x2048xf32, #tpu.memory_space<vmem>>, vector<16xf32>,
        tpu.vector_store %arg9[%swap3A_366, %swap3A_367], %gather3A_304 {strides = array<i32>} : memref<16x2048xf32, #tpu.memory_space<vmem>>, vector<16xf32>,
        %swap3A_369 = arith.constant 2 : i32
        %swap3A_370 = arith.index_cast %swap3A_369 : i32 to index
        %swap3A_371 = arith.index_cast %mul3A_286 : i32 to index
        %swap3A_372 = tpu.vector_load %arg9[%swap3A_370, %swap3A_371] {strides = array<i32>} : memref<16x2048xf32, #tpu.memory_space<vmem>>, vector<16xf32>,
        tpu.vector_store %arg9[%swap3A_370, %swap3A_371], %gather3A_308 {strides = array<i32>} : memref<16x2048xf32, #tpu.memory_space<vmem>>, vector<16xf32>,
        %swap3A_373 = arith.constant 3 : i32
        %swap3A_374 = arith.index_cast %swap3A_373 : i32 to index
        %swap3A_375 = arith.index_cast %mul3A_286 : i32 to index
        %swap3A_376 = tpu.vector_load %arg9[%swap3A_374, %swap3A_375] {strides = array<i32>} : memref<16x2048xf32, #tpu.memory_space<vmem>>, vector<16xf32>,
        tpu.vector_store %arg9[%swap3A_374, %swap3A_375], %gather3A_312 {strides = array<i32>} : memref<16x2048xf32, #tpu.memory_space<vmem>>, vector<16xf32>,
        %swap3A_377 = arith.constant 4 : i32
        %swap3A_378 = arith.index_cast %swap3A_377 : i32 to index
        %swap3A_379 = arith.index_cast %mul3A_286 : i32 to index
        %swap3A_380 = tpu.vector_load %arg9[%swap3A_378, %swap3A_379] {strides = array<i32>} : memref<16x2048xf32, #tpu.memory_space<vmem>>, vector<16xf32>,
        tpu.vector_store %arg9[%swap3A_378, %swap3A_379], %gather3A_316 {strides = array<i32>} : memref<16x2048xf32, #tpu.memory_space<vmem>>, vector<16xf32>,
        %swap3A_381 = arith.constant 5 : i32
        %swap3A_382 = arith.index_cast %swap3A_381 : i32 to index
        %swap3A_383 = arith.index_cast %mul3A_286 : i32 to index
        %swap3A_384 = tpu.vector_load %arg9[%swap3A_382, %swap3A_383] {strides = array<i32>} : memref<16x2048xf32, #tpu.memory_space<vmem>>, vector<16xf32>,
        tpu.vector_store %arg9[%swap3A_382, %swap3A_383], %gather3A_320 {strides = array<i32>} : memref<16x2048xf32, #tpu.memory_space<vmem>>, vector<16xf32>,
        %swap3A_385 = arith.constant 6 : i32
        %swap3A_386 = arith.index_cast %swap3A_385 : i32 to index
        %swap3A_387 = arith.index_cast %mul3A_286 : i32 to index
        %swap3A_388 = tpu.vector_load %arg9[%swap3A_386, %swap3A_387] {strides = array<i32>} : memref<16x2048xf32, #tpu.memory_space<vmem>>, vector<16xf32>,
        tpu.vector_store %arg9[%swap3A_386, %swap3A_387], %gather3A_324 {strides = array<i32>} : memref<16x2048xf32, #tpu.memory_space<vmem>>, vector<16xf32>,
        %swap3A_389 = arith.constant 7 : i32
        %swap3A_390 = arith.index_cast %swap3A_389 : i32 to index
        %swap3A_391 = arith.index_cast %mul3A_286 : i32 to index
        %swap3A_392 = tpu.vector_load %arg9[%swap3A_390, %swap3A_391] {strides = array<i32>} : memref<16x2048xf32, #tpu.memory_space<vmem>>, vector<16xf32>,
        tpu.vector_store %arg9[%swap3A_390, %swap3A_391], %gather3A_328 {strides = array<i32>} : memref<16x2048xf32, #tpu.memory_space<vmem>>, vector<16xf32>,
        %swap3A_393 = arith.constant 8 : i32
        %swap3A_394 = arith.index_cast %swap3A_393 : i32 to index
        %swap3A_395 = arith.index_cast %mul3A_286 : i32 to index
        %swap3A_396 = tpu.vector_load %arg9[%swap3A_394, %swap3A_395] {strides = array<i32>} : memref<16x2048xf32, #tpu.memory_space<vmem>>, vector<16xf32>,
        tpu.vector_store %arg9[%swap3A_394, %swap3A_395], %gather3A_332 {strides = array<i32>} : memref<16x2048xf32, #tpu.memory_space<vmem>>, vector<16xf32>,
        %swap3A_397 = arith.constant 9 : i32
        %swap3A_398 = arith.index_cast %swap3A_397 : i32 to index
        %swap3A_399 = arith.index_cast %mul3A_286 : i32 to index
        %swap3A_400 = tpu.vector_load %arg9[%swap3A_398, %swap3A_399] {strides = array<i32>} : memref<16x2048xf32, #tpu.memory_space<vmem>>, vector<16xf32>,
        tpu.vector_store %arg9[%swap3A_398, %swap3A_399], %gather3A_336 {strides = array<i32>} : memref<16x2048xf32, #tpu.memory_space<vmem>>, vector<16xf32>,
        %swap3A_401 = arith.constant 10 : i32
        %swap3A_402 = arith.index_cast %swap3A_401 : i32 to index
        %swap3A_403 = arith.index_cast %mul3A_286 : i32 to index
        %swap3A_404 = tpu.vector_load %arg9[%swap3A_402, %swap3A_403] {strides = array<i32>} : memref<16x2048xf32, #tpu.memory_space<vmem>>, vector<16xf32>,
        tpu.vector_store %arg9[%swap3A_402, %swap3A_403], %gather3A_340 {strides = array<i32>} : memref<16x2048xf32, #tpu.memory_space<vmem>>, vector<16xf32>,
        %swap3A_405 = arith.constant 11 : i32
        %swap3A_406 = arith.index_cast %swap3A_405 : i32 to index
        %swap3A_407 = arith.index_cast %mul3A_286 : i32 to index
        %swap3A_408 = tpu.vector_load %arg9[%swap3A_406, %swap3A_407] {strides = array<i32>} : memref<16x2048xf32, #tpu.memory_space<vmem>>, vector<16xf32>,
        tpu.vector_store %arg9[%swap3A_406, %swap3A_407], %gather3A_344 {strides = array<i32>} : memref<16x2048xf32, #tpu.memory_space<vmem>>, vector<16xf32>,
        %swap3A_409 = arith.constant 12 : i32
        %swap3A_410 = arith.index_cast %swap3A_409 : i32 to index
        %swap3A_411 = arith.index_cast %mul3A_286 : i32 to index
        %swap3A_412 = tpu.vector_load %arg9[%swap3A_410, %swap3A_411] {strides = array<i32>} : memref<16x2048xf32, #tpu.memory_space<vmem>>, vector<16xf32>,
        tpu.vector_store %arg9[%swap3A_410, %swap3A_411], %gather3A_348 {strides = array<i32>} : memref<16x2048xf32, #tpu.memory_space<vmem>>, vector<16xf32>,
        %swap3A_413 = arith.constant 13 : i32
        %swap3A_414 = arith.index_cast %swap3A_413 : i32 to index
        %swap3A_415 = arith.index_cast %mul3A_286 : i32 to index
        %swap3A_416 = tpu.vector_load %arg9[%swap3A_414, %swap3A_415] {strides = array<i32>} : memref<16x2048xf32, #tpu.memory_space<vmem>>, vector<16xf32>,
        tpu.vector_store %arg9[%swap3A_414, %swap3A_415], %gather3A_352 {strides = array<i32>} : memref<16x2048xf32, #tpu.memory_space<vmem>>, vector<16xf32>,
        %swap3A_417 = arith.constant 14 : i32
        %swap3A_418 = arith.index_cast %swap3A_417 : i32 to index
        %swap3A_419 = arith.index_cast %mul3A_286 : i32 to index
        %swap3A_420 = tpu.vector_load %arg9[%swap3A_418, %swap3A_419] {strides = array<i32>} : memref<16x2048xf32, #tpu.memory_space<vmem>>, vector<16xf32>,
        tpu.vector_store %arg9[%swap3A_418, %swap3A_419], %gather3A_356 {strides = array<i32>} : memref<16x2048xf32, #tpu.memory_space<vmem>>, vector<16xf32>,
        %swap3A_421 = arith.constant 15 : i32
        %swap3A_422 = arith.index_cast %swap3A_421 : i32 to index
        %swap3A_423 = arith.index_cast %mul3A_286 : i32 to index
        %swap3A_424 = tpu.vector_load %arg9[%swap3A_422, %swap3A_423] {strides = array<i32>} : memref<16x2048xf32, #tpu.memory_space<vmem>>, vector<16xf32>,
        tpu.vector_store %arg9[%swap3A_422, %swap3A_423], %gather3A_360 {strides = array<i32>} : memref<16x2048xf32, #tpu.memory_space<vmem>>, vector<16xf32>,
      }
      %scan3A_70 = arith.constant 128 : i32
      %dma_start3A_71 = arith.constant 0 : i32
      %dma_start3A_72 = arith.constant 0 : i32
      %dma_start3A_73 = tpu.memref_slice %arg5[%add3A_36, %dma_start3A_71, %dma_start3A_72] : memref<1024x64x2048xf32, #tpu.memory_space<hbm>> -> memref<1x16x2048xf32, #tpu.memory_space<hbm>>
      %dma_start3A_74 = tpu.memref_squeeze %dma_start3A_73 : memref<1x16x2048xf32, #tpu.memory_space<hbm>> -> memref<16x2048xf32, #tpu.memory_space<hbm>>
      %dma_start3A_75 = arith.constant 0 : i32
      %dma_start3A_76 = arith.constant 0 : i32
      %dma_start3A_77 = tpu.memref_slice %arg5[%add3A_36, %dma_start3A_75, %dma_start3A_76] : memref<1024x64x2048xf32, #tpu.memory_space<hbm>> -> memref<1x16x2048xf32, #tpu.memory_space<hbm>>
      %dma_start3A_78 = tpu.memref_squeeze %dma_start3A_77 : memref<1x16x2048xf32, #tpu.memory_space<hbm>> -> memref<16x2048xf32, #tpu.memory_space<hbm>>
      tpu.enqueue_dma source(%arg9 : memref<16x2048xf32, #tpu.memory_space<vmem>>) target(%dma_start3A_78 : memref<16x2048xf32, #tpu.memory_space<hbm>>) target_semaphore(%arg11 : memref<!tpu.dma_semaphore, #tpu.memory_space<semaphore_mem>>)
      %gt3A_79 = arith.constant 0 : i32
      %gt3A_80 = arith.cmpi sgt, %scan3A_33, %gt3A_79 : i32
      %convert_element_type3A_81 = arith.extui %gt3A_80 : i1 to i32
      %cond3A_82 = arith.constant 0 : i32
      %cond3A_83 = arith.cmpi ne, %convert_element_type3A_81, %cond3A_82 : i32
      scf.if %cond3A_83 {
        %dma_wait3A_144 = arith.constant 0 : i32
        %dma_wait3A_145 = arith.constant 0 : i32
        %dma_wait3A_146 = arith.constant 0 : i32
        %dma_wait3A_147 = tpu.memref_slice %arg5[%dma_wait3A_144, %dma_wait3A_145, %dma_wait3A_146] : memref<1024x64x2048xf32, #tpu.memory_space<hbm>> -> memref<1x16x2048xf32, #tpu.memory_space<hbm>>
        %dma_wait3A_148 = tpu.memref_squeeze %dma_wait3A_147 : memref<1x16x2048xf32, #tpu.memory_space<hbm>> -> memref<16x2048xf32, #tpu.memory_space<hbm>>
        %dma_wait3A_149 = arith.constant 0 : i32
        %dma_wait3A_150 = arith.constant 0 : i32
        %dma_wait3A_151 = tpu.memref_slice %arg5[%dma_wait3A_144, %dma_wait3A_149, %dma_wait3A_150] : memref<1024x64x2048xf32, #tpu.memory_space<hbm>> -> memref<1x16x2048xf32, #tpu.memory_space<hbm>>
        %dma_wait3A_152 = tpu.memref_squeeze %dma_wait3A_151 : memref<1x16x2048xf32, #tpu.memory_space<hbm>> -> memref<16x2048xf32, #tpu.memory_space<hbm>>
        tpu.wait_dma2 semaphore(%arg12 : memref<!tpu.dma_semaphore, #tpu.memory_space<semaphore_mem>>) src(%arg10 : memref<16x2048xf32, #tpu.memory_space<vmem>>) dst(%dma_wait3A_152 : memref<16x2048xf32, #tpu.memory_space<hbm>>)
      } else {
      }
      %scan3A_84 = arith.constant 0 : i32
      %scan3A_85 = arith.constant 0 : i32
      %scan3A_86 = arith.constant 128 : i32
      %scan3A_87 = arith.addi %scan3A_85, %scan3A_86 : i32
      %scan3A_88 = arith.constant 2 : i32
      scf.for %scan3A_144 = %scan3A_85 to %scan3A_87 step %scan3A_88  : i32 {
        %mul3A_145 = arith.constant 16 : i32
        %mul3A_146 = arith.muli %scan3A_144, %mul3A_145 : i32
        %add3A_147 = arith.addi %mul3A_47, %mul3A_146 : i32
        %get3A_148 = arith.index_cast %add3A_147 : i32 to index
        %get3A_149 = tpu.vector_load %arg6[%get3A_148] {strides = array<i32>} : memref<4096xi32, #tpu.memory_space<vmem>>, vector<16xi32>,
        %mul3A_150 = arith.constant 1024 : i32
        %mul3A_151 = vector.broadcast %mul3A_150 : i32 to vector<16xi32>
        %mul3A_152 = arith.muli %get3A_149, %mul3A_151 : vector<16xi32>
        %add3A_153 = arith.addi %mul3A_152, %get3A_1 : vector<16xi32>
        %add3A_154 = arith.constant 256 : i32
        %add3A_155 = vector.broadcast %add3A_154 : i32 to vector<16xi32>
        %add3A_156 = arith.addi %add3A_153, %add3A_155 : vector<16xi32>
        %add3A_157 = arith.constant 0 : i32
        %add3A_158 = vector.broadcast %add3A_157 : i32 to vector<16xi32>
        %add3A_159 = arith.addi %add3A_156, %add3A_158 : vector<16xi32>
        %gather3A = tpu.vector_load_idx %arg7[%add3A_159] : memref<8192xf32, #tpu.memory_space<vmem>>[vector<16xi32>], vector<16xf32>,
        %add3A_160 = arith.constant 16 : i32
        %add3A_161 = vector.broadcast %add3A_160 : i32 to vector<16xi32>
        %add3A_162 = arith.addi %add3A_156, %add3A_161 : vector<16xi32>
        %gather3A_163 = tpu.vector_load_idx %arg7[%add3A_162] : memref<8192xf32, #tpu.memory_space<vmem>>[vector<16xi32>], vector<16xf32>,
        %add3A_164 = arith.constant 32 : i32
        %add3A_165 = vector.broadcast %add3A_164 : i32 to vector<16xi32>
        %add3A_166 = arith.addi %add3A_156, %add3A_165 : vector<16xi32>
        %gather3A_167 = tpu.vector_load_idx %arg7[%add3A_166] : memref<8192xf32, #tpu.memory_space<vmem>>[vector<16xi32>], vector<16xf32>,
        %add3A_168 = arith.constant 48 : i32
        %add3A_169 = vector.broadcast %add3A_168 : i32 to vector<16xi32>
        %add3A_170 = arith.addi %add3A_156, %add3A_169 : vector<16xi32>
        %gather3A_171 = tpu.vector_load_idx %arg7[%add3A_170] : memref<8192xf32, #tpu.memory_space<vmem>>[vector<16xi32>], vector<16xf32>,
        %add3A_172 = arith.constant 64 : i32
        %add3A_173 = vector.broadcast %add3A_172 : i32 to vector<16xi32>
        %add3A_174 = arith.addi %add3A_156, %add3A_173 : vector<16xi32>
        %gather3A_175 = tpu.vector_load_idx %arg7[%add3A_174] : memref<8192xf32, #tpu.memory_space<vmem>>[vector<16xi32>], vector<16xf32>,
        %add3A_176 = arith.constant 80 : i32
        %add3A_177 = vector.broadcast %add3A_176 : i32 to vector<16xi32>
        %add3A_178 = arith.addi %add3A_156, %add3A_177 : vector<16xi32>
        %gather3A_179 = tpu.vector_load_idx %arg7[%add3A_178] : memref<8192xf32, #tpu.memory_space<vmem>>[vector<16xi32>], vector<16xf32>,
        %add3A_180 = arith.constant 96 : i32
        %add3A_181 = vector.broadcast %add3A_180 : i32 to vector<16xi32>
        %add3A_182 = arith.addi %add3A_156, %add3A_181 : vector<16xi32>
        %gather3A_183 = tpu.vector_load_idx %arg7[%add3A_182] : memref<8192xf32, #tpu.memory_space<vmem>>[vector<16xi32>], vector<16xf32>,
        %add3A_184 = arith.constant 112 : i32
        %add3A_185 = vector.broadcast %add3A_184 : i32 to vector<16xi32>
        %add3A_186 = arith.addi %add3A_156, %add3A_185 : vector<16xi32>
        %gather3A_187 = tpu.vector_load_idx %arg7[%add3A_186] : memref<8192xf32, #tpu.memory_space<vmem>>[vector<16xi32>], vector<16xf32>,
        %add3A_188 = arith.constant 128 : i32
        %add3A_189 = vector.broadcast %add3A_188 : i32 to vector<16xi32>
        %add3A_190 = arith.addi %add3A_156, %add3A_189 : vector<16xi32>
        %gather3A_191 = tpu.vector_load_idx %arg7[%add3A_190] : memref<8192xf32, #tpu.memory_space<vmem>>[vector<16xi32>], vector<16xf32>,
        %add3A_192 = arith.constant 144 : i32
        %add3A_193 = vector.broadcast %add3A_192 : i32 to vector<16xi32>
        %add3A_194 = arith.addi %add3A_156, %add3A_193 : vector<16xi32>
        %gather3A_195 = tpu.vector_load_idx %arg7[%add3A_194] : memref<8192xf32, #tpu.memory_space<vmem>>[vector<16xi32>], vector<16xf32>,
        %add3A_196 = arith.constant 160 : i32
        %add3A_197 = vector.broadcast %add3A_196 : i32 to vector<16xi32>
        %add3A_198 = arith.addi %add3A_156, %add3A_197 : vector<16xi32>
        %gather3A_199 = tpu.vector_load_idx %arg7[%add3A_198] : memref<8192xf32, #tpu.memory_space<vmem>>[vector<16xi32>], vector<16xf32>,
        %add3A_200 = arith.constant 176 : i32
        %add3A_201 = vector.broadcast %add3A_200 : i32 to vector<16xi32>
        %add3A_202 = arith.addi %add3A_156, %add3A_201 : vector<16xi32>
        %gather3A_203 = tpu.vector_load_idx %arg7[%add3A_202] : memref<8192xf32, #tpu.memory_space<vmem>>[vector<16xi32>], vector<16xf32>,
        %add3A_204 = arith.constant 192 : i32
        %add3A_205 = vector.broadcast %add3A_204 : i32 to vector<16xi32>
        %add3A_206 = arith.addi %add3A_156, %add3A_205 : vector<16xi32>
        %gather3A_207 = tpu.vector_load_idx %arg7[%add3A_206] : memref<8192xf32, #tpu.memory_space<vmem>>[vector<16xi32>], vector<16xf32>,
        %add3A_208 = arith.constant 208 : i32
        %add3A_209 = vector.broadcast %add3A_208 : i32 to vector<16xi32>
        %add3A_210 = arith.addi %add3A_156, %add3A_209 : vector<16xi32>
        %gather3A_211 = tpu.vector_load_idx %arg7[%add3A_210] : memref<8192xf32, #tpu.memory_space<vmem>>[vector<16xi32>], vector<16xf32>,
        %add3A_212 = arith.constant 224 : i32
        %add3A_213 = vector.broadcast %add3A_212 : i32 to vector<16xi32>
        %add3A_214 = arith.addi %add3A_156, %add3A_213 : vector<16xi32>
        %gather3A_215 = tpu.vector_load_idx %arg7[%add3A_214] : memref<8192xf32, #tpu.memory_space<vmem>>[vector<16xi32>], vector<16xf32>,
        %add3A_216 = arith.constant 240 : i32
        %add3A_217 = vector.broadcast %add3A_216 : i32 to vector<16xi32>
        %add3A_218 = arith.addi %add3A_156, %add3A_217 : vector<16xi32>
        %gather3A_219 = tpu.vector_load_idx %arg7[%add3A_218] : memref<8192xf32, #tpu.memory_space<vmem>>[vector<16xi32>], vector<16xf32>,
        %swap3A = arith.constant 0 : i32
        %swap3A_220 = arith.index_cast %swap3A : i32 to index
        %swap3A_221 = arith.index_cast %mul3A_146 : i32 to index
        %swap3A_222 = tpu.vector_load %arg10[%swap3A_220, %swap3A_221] {strides = array<i32>} : memref<16x2048xf32, #tpu.memory_space<vmem>>, vector<16xf32>,
        tpu.vector_store %arg10[%swap3A_220, %swap3A_221], %gather3A {strides = array<i32>} : memref<16x2048xf32, #tpu.memory_space<vmem>>, vector<16xf32>,
        %swap3A_223 = arith.constant 1 : i32
        %swap3A_224 = arith.index_cast %swap3A_223 : i32 to index
        %swap3A_225 = arith.index_cast %mul3A_146 : i32 to index
        %swap3A_226 = tpu.vector_load %arg10[%swap3A_224, %swap3A_225] {strides = array<i32>} : memref<16x2048xf32, #tpu.memory_space<vmem>>, vector<16xf32>,
        tpu.vector_store %arg10[%swap3A_224, %swap3A_225], %gather3A_163 {strides = array<i32>} : memref<16x2048xf32, #tpu.memory_space<vmem>>, vector<16xf32>,
        %swap3A_227 = arith.constant 2 : i32
        %swap3A_228 = arith.index_cast %swap3A_227 : i32 to index
        %swap3A_229 = arith.index_cast %mul3A_146 : i32 to index
        %swap3A_230 = tpu.vector_load %arg10[%swap3A_228, %swap3A_229] {strides = array<i32>} : memref<16x2048xf32, #tpu.memory_space<vmem>>, vector<16xf32>,
        tpu.vector_store %arg10[%swap3A_228, %swap3A_229], %gather3A_167 {strides = array<i32>} : memref<16x2048xf32, #tpu.memory_space<vmem>>, vector<16xf32>,
        %swap3A_231 = arith.constant 3 : i32
        %swap3A_232 = arith.index_cast %swap3A_231 : i32 to index
        %swap3A_233 = arith.index_cast %mul3A_146 : i32 to index
        %swap3A_234 = tpu.vector_load %arg10[%swap3A_232, %swap3A_233] {strides = array<i32>} : memref<16x2048xf32, #tpu.memory_space<vmem>>, vector<16xf32>,
        tpu.vector_store %arg10[%swap3A_232, %swap3A_233], %gather3A_171 {strides = array<i32>} : memref<16x2048xf32, #tpu.memory_space<vmem>>, vector<16xf32>,
        %swap3A_235 = arith.constant 4 : i32
        %swap3A_236 = arith.index_cast %swap3A_235 : i32 to index
        %swap3A_237 = arith.index_cast %mul3A_146 : i32 to index
        %swap3A_238 = tpu.vector_load %arg10[%swap3A_236, %swap3A_237] {strides = array<i32>} : memref<16x2048xf32, #tpu.memory_space<vmem>>, vector<16xf32>,
        tpu.vector_store %arg10[%swap3A_236, %swap3A_237], %gather3A_175 {strides = array<i32>} : memref<16x2048xf32, #tpu.memory_space<vmem>>, vector<16xf32>,
        %swap3A_239 = arith.constant 5 : i32
        %swap3A_240 = arith.index_cast %swap3A_239 : i32 to index
        %swap3A_241 = arith.index_cast %mul3A_146 : i32 to index
        %swap3A_242 = tpu.vector_load %arg10[%swap3A_240, %swap3A_241] {strides = array<i32>} : memref<16x2048xf32, #tpu.memory_space<vmem>>, vector<16xf32>,
        tpu.vector_store %arg10[%swap3A_240, %swap3A_241], %gather3A_179 {strides = array<i32>} : memref<16x2048xf32, #tpu.memory_space<vmem>>, vector<16xf32>,
        %swap3A_243 = arith.constant 6 : i32
        %swap3A_244 = arith.index_cast %swap3A_243 : i32 to index
        %swap3A_245 = arith.index_cast %mul3A_146 : i32 to index
        %swap3A_246 = tpu.vector_load %arg10[%swap3A_244, %swap3A_245] {strides = array<i32>} : memref<16x2048xf32, #tpu.memory_space<vmem>>, vector<16xf32>,
        tpu.vector_store %arg10[%swap3A_244, %swap3A_245], %gather3A_183 {strides = array<i32>} : memref<16x2048xf32, #tpu.memory_space<vmem>>, vector<16xf32>,
        %swap3A_247 = arith.constant 7 : i32
        %swap3A_248 = arith.index_cast %swap3A_247 : i32 to index
        %swap3A_249 = arith.index_cast %mul3A_146 : i32 to index
        %swap3A_250 = tpu.vector_load %arg10[%swap3A_248, %swap3A_249] {strides = array<i32>} : memref<16x2048xf32, #tpu.memory_space<vmem>>, vector<16xf32>,
        tpu.vector_store %arg10[%swap3A_248, %swap3A_249], %gather3A_187 {strides = array<i32>} : memref<16x2048xf32, #tpu.memory_space<vmem>>, vector<16xf32>,
        %swap3A_251 = arith.constant 8 : i32
        %swap3A_252 = arith.index_cast %swap3A_251 : i32 to index
        %swap3A_253 = arith.index_cast %mul3A_146 : i32 to index
        %swap3A_254 = tpu.vector_load %arg10[%swap3A_252, %swap3A_253] {strides = array<i32>} : memref<16x2048xf32, #tpu.memory_space<vmem>>, vector<16xf32>,
        tpu.vector_store %arg10[%swap3A_252, %swap3A_253], %gather3A_191 {strides = array<i32>} : memref<16x2048xf32, #tpu.memory_space<vmem>>, vector<16xf32>,
        %swap3A_255 = arith.constant 9 : i32
        %swap3A_256 = arith.index_cast %swap3A_255 : i32 to index
        %swap3A_257 = arith.index_cast %mul3A_146 : i32 to index
        %swap3A_258 = tpu.vector_load %arg10[%swap3A_256, %swap3A_257] {strides = array<i32>} : memref<16x2048xf32, #tpu.memory_space<vmem>>, vector<16xf32>,
        tpu.vector_store %arg10[%swap3A_256, %swap3A_257], %gather3A_195 {strides = array<i32>} : memref<16x2048xf32, #tpu.memory_space<vmem>>, vector<16xf32>,
        %swap3A_259 = arith.constant 10 : i32
        %swap3A_260 = arith.index_cast %swap3A_259 : i32 to index
        %swap3A_261 = arith.index_cast %mul3A_146 : i32 to index
        %swap3A_262 = tpu.vector_load %arg10[%swap3A_260, %swap3A_261] {strides = array<i32>} : memref<16x2048xf32, #tpu.memory_space<vmem>>, vector<16xf32>,
        tpu.vector_store %arg10[%swap3A_260, %swap3A_261], %gather3A_199 {strides = array<i32>} : memref<16x2048xf32, #tpu.memory_space<vmem>>, vector<16xf32>,
        %swap3A_263 = arith.constant 11 : i32
        %swap3A_264 = arith.index_cast %swap3A_263 : i32 to index
        %swap3A_265 = arith.index_cast %mul3A_146 : i32 to index
        %swap3A_266 = tpu.vector_load %arg10[%swap3A_264, %swap3A_265] {strides = array<i32>} : memref<16x2048xf32, #tpu.memory_space<vmem>>, vector<16xf32>,
        tpu.vector_store %arg10[%swap3A_264, %swap3A_265], %gather3A_203 {strides = array<i32>} : memref<16x2048xf32, #tpu.memory_space<vmem>>, vector<16xf32>,
        %swap3A_267 = arith.constant 12 : i32
        %swap3A_268 = arith.index_cast %swap3A_267 : i32 to index
        %swap3A_269 = arith.index_cast %mul3A_146 : i32 to index
        %swap3A_270 = tpu.vector_load %arg10[%swap3A_268, %swap3A_269] {strides = array<i32>} : memref<16x2048xf32, #tpu.memory_space<vmem>>, vector<16xf32>,
        tpu.vector_store %arg10[%swap3A_268, %swap3A_269], %gather3A_207 {strides = array<i32>} : memref<16x2048xf32, #tpu.memory_space<vmem>>, vector<16xf32>,
        %swap3A_271 = arith.constant 13 : i32
        %swap3A_272 = arith.index_cast %swap3A_271 : i32 to index
        %swap3A_273 = arith.index_cast %mul3A_146 : i32 to index
        %swap3A_274 = tpu.vector_load %arg10[%swap3A_272, %swap3A_273] {strides = array<i32>} : memref<16x2048xf32, #tpu.memory_space<vmem>>, vector<16xf32>,
        tpu.vector_store %arg10[%swap3A_272, %swap3A_273], %gather3A_211 {strides = array<i32>} : memref<16x2048xf32, #tpu.memory_space<vmem>>, vector<16xf32>,
        %swap3A_275 = arith.constant 14 : i32
        %swap3A_276 = arith.index_cast %swap3A_275 : i32 to index
        %swap3A_277 = arith.index_cast %mul3A_146 : i32 to index
        %swap3A_278 = tpu.vector_load %arg10[%swap3A_276, %swap3A_277] {strides = array<i32>} : memref<16x2048xf32, #tpu.memory_space<vmem>>, vector<16xf32>,
        tpu.vector_store %arg10[%swap3A_276, %swap3A_277], %gather3A_215 {strides = array<i32>} : memref<16x2048xf32, #tpu.memory_space<vmem>>, vector<16xf32>,
        %swap3A_279 = arith.constant 15 : i32
        %swap3A_280 = arith.index_cast %swap3A_279 : i32 to index
        %swap3A_281 = arith.index_cast %mul3A_146 : i32 to index
        %swap3A_282 = tpu.vector_load %arg10[%swap3A_280, %swap3A_281] {strides = array<i32>} : memref<16x2048xf32, #tpu.memory_space<vmem>>, vector<16xf32>,
        tpu.vector_store %arg10[%swap3A_280, %swap3A_281], %gather3A_219 {strides = array<i32>} : memref<16x2048xf32, #tpu.memory_space<vmem>>, vector<16xf32>,
        %scan3A_283 = arith.constant 1 : i32
        %scan3A_284 = arith.addi %scan3A_144, %scan3A_283 : i32
        %mul3A_285 = arith.constant 16 : i32
        %mul3A_286 = arith.muli %scan3A_284, %mul3A_285 : i32
        %add3A_287 = arith.addi %mul3A_47, %mul3A_286 : i32
        %get3A_288 = arith.index_cast %add3A_287 : i32 to index
        %get3A_289 = tpu.vector_load %arg6[%get3A_288] {strides = array<i32>} : memref<4096xi32, #tpu.memory_space<vmem>>, vector<16xi32>,
        %mul3A_290 = arith.constant 1024 : i32
        %mul3A_291 = vector.broadcast %mul3A_290 : i32 to vector<16xi32>
        %mul3A_292 = arith.muli %get3A_289, %mul3A_291 : vector<16xi32>
        %add3A_293 = arith.addi %mul3A_292, %get3A_1 : vector<16xi32>
        %add3A_294 = arith.constant 256 : i32
        %add3A_295 = vector.broadcast %add3A_294 : i32 to vector<16xi32>
        %add3A_296 = arith.addi %add3A_293, %add3A_295 : vector<16xi32>
        %add3A_297 = arith.constant 0 : i32
        %add3A_298 = vector.broadcast %add3A_297 : i32 to vector<16xi32>
        %add3A_299 = arith.addi %add3A_296, %add3A_298 : vector<16xi32>
        %gather3A_300 = tpu.vector_load_idx %arg7[%add3A_299] : memref<8192xf32, #tpu.memory_space<vmem>>[vector<16xi32>], vector<16xf32>,
        %add3A_301 = arith.constant 16 : i32
        %add3A_302 = vector.broadcast %add3A_301 : i32 to vector<16xi32>
        %add3A_303 = arith.addi %add3A_296, %add3A_302 : vector<16xi32>
        %gather3A_304 = tpu.vector_load_idx %arg7[%add3A_303] : memref<8192xf32, #tpu.memory_space<vmem>>[vector<16xi32>], vector<16xf32>,
        %add3A_305 = arith.constant 32 : i32
        %add3A_306 = vector.broadcast %add3A_305 : i32 to vector<16xi32>
        %add3A_307 = arith.addi %add3A_296, %add3A_306 : vector<16xi32>
        %gather3A_308 = tpu.vector_load_idx %arg7[%add3A_307] : memref<8192xf32, #tpu.memory_space<vmem>>[vector<16xi32>], vector<16xf32>,
        %add3A_309 = arith.constant 48 : i32
        %add3A_310 = vector.broadcast %add3A_309 : i32 to vector<16xi32>
        %add3A_311 = arith.addi %add3A_296, %add3A_310 : vector<16xi32>
        %gather3A_312 = tpu.vector_load_idx %arg7[%add3A_311] : memref<8192xf32, #tpu.memory_space<vmem>>[vector<16xi32>], vector<16xf32>,
        %add3A_313 = arith.constant 64 : i32
        %add3A_314 = vector.broadcast %add3A_313 : i32 to vector<16xi32>
        %add3A_315 = arith.addi %add3A_296, %add3A_314 : vector<16xi32>
        %gather3A_316 = tpu.vector_load_idx %arg7[%add3A_315] : memref<8192xf32, #tpu.memory_space<vmem>>[vector<16xi32>], vector<16xf32>,
        %add3A_317 = arith.constant 80 : i32
        %add3A_318 = vector.broadcast %add3A_317 : i32 to vector<16xi32>
        %add3A_319 = arith.addi %add3A_296, %add3A_318 : vector<16xi32>
        %gather3A_320 = tpu.vector_load_idx %arg7[%add3A_319] : memref<8192xf32, #tpu.memory_space<vmem>>[vector<16xi32>], vector<16xf32>,
        %add3A_321 = arith.constant 96 : i32
        %add3A_322 = vector.broadcast %add3A_321 : i32 to vector<16xi32>
        %add3A_323 = arith.addi %add3A_296, %add3A_322 : vector<16xi32>
        %gather3A_324 = tpu.vector_load_idx %arg7[%add3A_323] : memref<8192xf32, #tpu.memory_space<vmem>>[vector<16xi32>], vector<16xf32>,
        %add3A_325 = arith.constant 112 : i32
        %add3A_326 = vector.broadcast %add3A_325 : i32 to vector<16xi32>
        %add3A_327 = arith.addi %add3A_296, %add3A_326 : vector<16xi32>
        %gather3A_328 = tpu.vector_load_idx %arg7[%add3A_327] : memref<8192xf32, #tpu.memory_space<vmem>>[vector<16xi32>], vector<16xf32>,
        %add3A_329 = arith.constant 128 : i32
        %add3A_330 = vector.broadcast %add3A_329 : i32 to vector<16xi32>
        %add3A_331 = arith.addi %add3A_296, %add3A_330 : vector<16xi32>
        %gather3A_332 = tpu.vector_load_idx %arg7[%add3A_331] : memref<8192xf32, #tpu.memory_space<vmem>>[vector<16xi32>], vector<16xf32>,
        %add3A_333 = arith.constant 144 : i32
        %add3A_334 = vector.broadcast %add3A_333 : i32 to vector<16xi32>
        %add3A_335 = arith.addi %add3A_296, %add3A_334 : vector<16xi32>
        %gather3A_336 = tpu.vector_load_idx %arg7[%add3A_335] : memref<8192xf32, #tpu.memory_space<vmem>>[vector<16xi32>], vector<16xf32>,
        %add3A_337 = arith.constant 160 : i32
        %add3A_338 = vector.broadcast %add3A_337 : i32 to vector<16xi32>
        %add3A_339 = arith.addi %add3A_296, %add3A_338 : vector<16xi32>
        %gather3A_340 = tpu.vector_load_idx %arg7[%add3A_339] : memref<8192xf32, #tpu.memory_space<vmem>>[vector<16xi32>], vector<16xf32>,
        %add3A_341 = arith.constant 176 : i32
        %add3A_342 = vector.broadcast %add3A_341 : i32 to vector<16xi32>
        %add3A_343 = arith.addi %add3A_296, %add3A_342 : vector<16xi32>
        %gather3A_344 = tpu.vector_load_idx %arg7[%add3A_343] : memref<8192xf32, #tpu.memory_space<vmem>>[vector<16xi32>], vector<16xf32>,
        %add3A_345 = arith.constant 192 : i32
        %add3A_346 = vector.broadcast %add3A_345 : i32 to vector<16xi32>
        %add3A_347 = arith.addi %add3A_296, %add3A_346 : vector<16xi32>
        %gather3A_348 = tpu.vector_load_idx %arg7[%add3A_347] : memref<8192xf32, #tpu.memory_space<vmem>>[vector<16xi32>], vector<16xf32>,
        %add3A_349 = arith.constant 208 : i32
        %add3A_350 = vector.broadcast %add3A_349 : i32 to vector<16xi32>
        %add3A_351 = arith.addi %add3A_296, %add3A_350 : vector<16xi32>
        %gather3A_352 = tpu.vector_load_idx %arg7[%add3A_351] : memref<8192xf32, #tpu.memory_space<vmem>>[vector<16xi32>], vector<16xf32>,
        %add3A_353 = arith.constant 224 : i32
        %add3A_354 = vector.broadcast %add3A_353 : i32 to vector<16xi32>
        %add3A_355 = arith.addi %add3A_296, %add3A_354 : vector<16xi32>
        %gather3A_356 = tpu.vector_load_idx %arg7[%add3A_355] : memref<8192xf32, #tpu.memory_space<vmem>>[vector<16xi32>], vector<16xf32>,
        %add3A_357 = arith.constant 240 : i32
        %add3A_358 = vector.broadcast %add3A_357 : i32 to vector<16xi32>
        %add3A_359 = arith.addi %add3A_296, %add3A_358 : vector<16xi32>
        %gather3A_360 = tpu.vector_load_idx %arg7[%add3A_359] : memref<8192xf32, #tpu.memory_space<vmem>>[vector<16xi32>], vector<16xf32>,
        %swap3A_361 = arith.constant 0 : i32
        %swap3A_362 = arith.index_cast %swap3A_361 : i32 to index
        %swap3A_363 = arith.index_cast %mul3A_286 : i32 to index
        %swap3A_364 = tpu.vector_load %arg10[%swap3A_362, %swap3A_363] {strides = array<i32>} : memref<16x2048xf32, #tpu.memory_space<vmem>>, vector<16xf32>,
        tpu.vector_store %arg10[%swap3A_362, %swap3A_363], %gather3A_300 {strides = array<i32>} : memref<16x2048xf32, #tpu.memory_space<vmem>>, vector<16xf32>,
        %swap3A_365 = arith.constant 1 : i32
        %swap3A_366 = arith.index_cast %swap3A_365 : i32 to index
        %swap3A_367 = arith.index_cast %mul3A_286 : i32 to index
        %swap3A_368 = tpu.vector_load %arg10[%swap3A_366, %swap3A_367] {strides = array<i32>} : memref<16x2048xf32, #tpu.memory_space<vmem>>, vector<16xf32>,
        tpu.vector_store %arg10[%swap3A_366, %swap3A_367], %gather3A_304 {strides = array<i32>} : memref<16x2048xf32, #tpu.memory_space<vmem>>, vector<16xf32>,
        %swap3A_369 = arith.constant 2 : i32
        %swap3A_370 = arith.index_cast %swap3A_369 : i32 to index
        %swap3A_371 = arith.index_cast %mul3A_286 : i32 to index
        %swap3A_372 = tpu.vector_load %arg10[%swap3A_370, %swap3A_371] {strides = array<i32>} : memref<16x2048xf32, #tpu.memory_space<vmem>>, vector<16xf32>,
        tpu.vector_store %arg10[%swap3A_370, %swap3A_371], %gather3A_308 {strides = array<i32>} : memref<16x2048xf32, #tpu.memory_space<vmem>>, vector<16xf32>,
        %swap3A_373 = arith.constant 3 : i32
        %swap3A_374 = arith.index_cast %swap3A_373 : i32 to index
        %swap3A_375 = arith.index_cast %mul3A_286 : i32 to index
        %swap3A_376 = tpu.vector_load %arg10[%swap3A_374, %swap3A_375] {strides = array<i32>} : memref<16x2048xf32, #tpu.memory_space<vmem>>, vector<16xf32>,
        tpu.vector_store %arg10[%swap3A_374, %swap3A_375], %gather3A_312 {strides = array<i32>} : memref<16x2048xf32, #tpu.memory_space<vmem>>, vector<16xf32>,
        %swap3A_377 = arith.constant 4 : i32
        %swap3A_378 = arith.index_cast %swap3A_377 : i32 to index
        %swap3A_379 = arith.index_cast %mul3A_286 : i32 to index
        %swap3A_380 = tpu.vector_load %arg10[%swap3A_378, %swap3A_379] {strides = array<i32>} : memref<16x2048xf32, #tpu.memory_space<vmem>>, vector<16xf32>,
        tpu.vector_store %arg10[%swap3A_378, %swap3A_379], %gather3A_316 {strides = array<i32>} : memref<16x2048xf32, #tpu.memory_space<vmem>>, vector<16xf32>,
        %swap3A_381 = arith.constant 5 : i32
        %swap3A_382 = arith.index_cast %swap3A_381 : i32 to index
        %swap3A_383 = arith.index_cast %mul3A_286 : i32 to index
        %swap3A_384 = tpu.vector_load %arg10[%swap3A_382, %swap3A_383] {strides = array<i32>} : memref<16x2048xf32, #tpu.memory_space<vmem>>, vector<16xf32>,
        tpu.vector_store %arg10[%swap3A_382, %swap3A_383], %gather3A_320 {strides = array<i32>} : memref<16x2048xf32, #tpu.memory_space<vmem>>, vector<16xf32>,
        %swap3A_385 = arith.constant 6 : i32
        %swap3A_386 = arith.index_cast %swap3A_385 : i32 to index
        %swap3A_387 = arith.index_cast %mul3A_286 : i32 to index
        %swap3A_388 = tpu.vector_load %arg10[%swap3A_386, %swap3A_387] {strides = array<i32>} : memref<16x2048xf32, #tpu.memory_space<vmem>>, vector<16xf32>,
        tpu.vector_store %arg10[%swap3A_386, %swap3A_387], %gather3A_324 {strides = array<i32>} : memref<16x2048xf32, #tpu.memory_space<vmem>>, vector<16xf32>,
        %swap3A_389 = arith.constant 7 : i32
        %swap3A_390 = arith.index_cast %swap3A_389 : i32 to index
        %swap3A_391 = arith.index_cast %mul3A_286 : i32 to index
        %swap3A_392 = tpu.vector_load %arg10[%swap3A_390, %swap3A_391] {strides = array<i32>} : memref<16x2048xf32, #tpu.memory_space<vmem>>, vector<16xf32>,
        tpu.vector_store %arg10[%swap3A_390, %swap3A_391], %gather3A_328 {strides = array<i32>} : memref<16x2048xf32, #tpu.memory_space<vmem>>, vector<16xf32>,
        %swap3A_393 = arith.constant 8 : i32
        %swap3A_394 = arith.index_cast %swap3A_393 : i32 to index
        %swap3A_395 = arith.index_cast %mul3A_286 : i32 to index
        %swap3A_396 = tpu.vector_load %arg10[%swap3A_394, %swap3A_395] {strides = array<i32>} : memref<16x2048xf32, #tpu.memory_space<vmem>>, vector<16xf32>,
        tpu.vector_store %arg10[%swap3A_394, %swap3A_395], %gather3A_332 {strides = array<i32>} : memref<16x2048xf32, #tpu.memory_space<vmem>>, vector<16xf32>,
        %swap3A_397 = arith.constant 9 : i32
        %swap3A_398 = arith.index_cast %swap3A_397 : i32 to index
        %swap3A_399 = arith.index_cast %mul3A_286 : i32 to index
        %swap3A_400 = tpu.vector_load %arg10[%swap3A_398, %swap3A_399] {strides = array<i32>} : memref<16x2048xf32, #tpu.memory_space<vmem>>, vector<16xf32>,
        tpu.vector_store %arg10[%swap3A_398, %swap3A_399], %gather3A_336 {strides = array<i32>} : memref<16x2048xf32, #tpu.memory_space<vmem>>, vector<16xf32>,
        %swap3A_401 = arith.constant 10 : i32
        %swap3A_402 = arith.index_cast %swap3A_401 : i32 to index
        %swap3A_403 = arith.index_cast %mul3A_286 : i32 to index
        %swap3A_404 = tpu.vector_load %arg10[%swap3A_402, %swap3A_403] {strides = array<i32>} : memref<16x2048xf32, #tpu.memory_space<vmem>>, vector<16xf32>,
        tpu.vector_store %arg10[%swap3A_402, %swap3A_403], %gather3A_340 {strides = array<i32>} : memref<16x2048xf32, #tpu.memory_space<vmem>>, vector<16xf32>,
        %swap3A_405 = arith.constant 11 : i32
        %swap3A_406 = arith.index_cast %swap3A_405 : i32 to index
        %swap3A_407 = arith.index_cast %mul3A_286 : i32 to index
        %swap3A_408 = tpu.vector_load %arg10[%swap3A_406, %swap3A_407] {strides = array<i32>} : memref<16x2048xf32, #tpu.memory_space<vmem>>, vector<16xf32>,
        tpu.vector_store %arg10[%swap3A_406, %swap3A_407], %gather3A_344 {strides = array<i32>} : memref<16x2048xf32, #tpu.memory_space<vmem>>, vector<16xf32>,
        %swap3A_409 = arith.constant 12 : i32
        %swap3A_410 = arith.index_cast %swap3A_409 : i32 to index
        %swap3A_411 = arith.index_cast %mul3A_286 : i32 to index
        %swap3A_412 = tpu.vector_load %arg10[%swap3A_410, %swap3A_411] {strides = array<i32>} : memref<16x2048xf32, #tpu.memory_space<vmem>>, vector<16xf32>,
        tpu.vector_store %arg10[%swap3A_410, %swap3A_411], %gather3A_348 {strides = array<i32>} : memref<16x2048xf32, #tpu.memory_space<vmem>>, vector<16xf32>,
        %swap3A_413 = arith.constant 13 : i32
        %swap3A_414 = arith.index_cast %swap3A_413 : i32 to index
        %swap3A_415 = arith.index_cast %mul3A_286 : i32 to index
        %swap3A_416 = tpu.vector_load %arg10[%swap3A_414, %swap3A_415] {strides = array<i32>} : memref<16x2048xf32, #tpu.memory_space<vmem>>, vector<16xf32>,
        tpu.vector_store %arg10[%swap3A_414, %swap3A_415], %gather3A_352 {strides = array<i32>} : memref<16x2048xf32, #tpu.memory_space<vmem>>, vector<16xf32>,
        %swap3A_417 = arith.constant 14 : i32
        %swap3A_418 = arith.index_cast %swap3A_417 : i32 to index
        %swap3A_419 = arith.index_cast %mul3A_286 : i32 to index
        %swap3A_420 = tpu.vector_load %arg10[%swap3A_418, %swap3A_419] {strides = array<i32>} : memref<16x2048xf32, #tpu.memory_space<vmem>>, vector<16xf32>,
        tpu.vector_store %arg10[%swap3A_418, %swap3A_419], %gather3A_356 {strides = array<i32>} : memref<16x2048xf32, #tpu.memory_space<vmem>>, vector<16xf32>,
        %swap3A_421 = arith.constant 15 : i32
        %swap3A_422 = arith.index_cast %swap3A_421 : i32 to index
        %swap3A_423 = arith.index_cast %mul3A_286 : i32 to index
        %swap3A_424 = tpu.vector_load %arg10[%swap3A_422, %swap3A_423] {strides = array<i32>} : memref<16x2048xf32, #tpu.memory_space<vmem>>, vector<16xf32>,
        tpu.vector_store %arg10[%swap3A_422, %swap3A_423], %gather3A_360 {strides = array<i32>} : memref<16x2048xf32, #tpu.memory_space<vmem>>, vector<16xf32>,
      }
      %scan3A_89 = arith.constant 128 : i32
      %dma_start3A_90 = arith.constant 16 : i32
      %dma_start3A_91 = arith.constant 0 : i32
      %dma_start3A_92 = tpu.memref_slice %arg5[%add3A_36, %dma_start3A_90, %dma_start3A_91] : memref<1024x64x2048xf32, #tpu.memory_space<hbm>> -> memref<1x16x2048xf32, #tpu.memory_space<hbm>>
      %dma_start3A_93 = tpu.memref_squeeze %dma_start3A_92 : memref<1x16x2048xf32, #tpu.memory_space<hbm>> -> memref<16x2048xf32, #tpu.memory_space<hbm>>
      %dma_start3A_94 = arith.constant 16 : i32
      %dma_start3A_95 = arith.constant 0 : i32
      %dma_start3A_96 = tpu.memref_slice %arg5[%add3A_36, %dma_start3A_94, %dma_start3A_95] : memref<1024x64x2048xf32, #tpu.memory_space<hbm>> -> memref<1x16x2048xf32, #tpu.memory_space<hbm>>
      %dma_start3A_97 = tpu.memref_squeeze %dma_start3A_96 : memref<1x16x2048xf32, #tpu.memory_space<hbm>> -> memref<16x2048xf32, #tpu.memory_space<hbm>>
      tpu.enqueue_dma source(%arg10 : memref<16x2048xf32, #tpu.memory_space<vmem>>) target(%dma_start3A_97 : memref<16x2048xf32, #tpu.memory_space<hbm>>) target_semaphore(%arg12 : memref<!tpu.dma_semaphore, #tpu.memory_space<semaphore_mem>>)
      %dma_wait3A_98 = arith.constant 0 : i32
      %dma_wait3A_99 = arith.constant 0 : i32
      %dma_wait3A_100 = arith.constant 0 : i32
      %dma_wait3A_101 = tpu.memref_slice %arg5[%dma_wait3A_98, %dma_wait3A_99, %dma_wait3A_100] : memref<1024x64x2048xf32, #tpu.memory_space<hbm>> -> memref<1x16x2048xf32, #tpu.memory_space<hbm>>
      %dma_wait3A_102 = tpu.memref_squeeze %dma_wait3A_101 : memref<1x16x2048xf32, #tpu.memory_space<hbm>> -> memref<16x2048xf32, #tpu.memory_space<hbm>>
      %dma_wait3A_103 = arith.constant 0 : i32
      %dma_wait3A_104 = arith.constant 0 : i32
      %dma_wait3A_105 = tpu.memref_slice %arg5[%dma_wait3A_98, %dma_wait3A_103, %dma_wait3A_104] : memref<1024x64x2048xf32, #tpu.memory_space<hbm>> -> memref<1x16x2048xf32, #tpu.memory_space<hbm>>
      %dma_wait3A_106 = tpu.memref_squeeze %dma_wait3A_105 : memref<1x16x2048xf32, #tpu.memory_space<hbm>> -> memref<16x2048xf32, #tpu.memory_space<hbm>>
      tpu.wait_dma2 semaphore(%arg11 : memref<!tpu.dma_semaphore, #tpu.memory_space<semaphore_mem>>) src(%arg9 : memref<16x2048xf32, #tpu.memory_space<vmem>>) dst(%dma_wait3A_106 : memref<16x2048xf32, #tpu.memory_space<hbm>>)
      %scan3A_107 = arith.constant 0 : i32
      %scan3A_108 = arith.constant 0 : i32
      %scan3A_109 = arith.constant 128 : i32
      %scan3A_110 = arith.addi %scan3A_108, %scan3A_109 : i32
      %scan3A_111 = arith.constant 2 : i32
      scf.for %scan3A_144 = %scan3A_108 to %scan3A_110 step %scan3A_111  : i32 {
        %mul3A_145 = arith.constant 16 : i32
        %mul3A_146 = arith.muli %scan3A_144, %mul3A_145 : i32
        %add3A_147 = arith.addi %mul3A_47, %mul3A_146 : i32
        %get3A_148 = arith.index_cast %add3A_147 : i32 to index
        %get3A_149 = tpu.vector_load %arg6[%get3A_148] {strides = array<i32>} : memref<4096xi32, #tpu.memory_space<vmem>>, vector<16xi32>,
        %mul3A_150 = arith.constant 1024 : i32
        %mul3A_151 = vector.broadcast %mul3A_150 : i32 to vector<16xi32>
        %mul3A_152 = arith.muli %get3A_149, %mul3A_151 : vector<16xi32>
        %add3A_153 = arith.addi %mul3A_152, %get3A_1 : vector<16xi32>
        %add3A_154 = arith.constant 512 : i32
        %add3A_155 = vector.broadcast %add3A_154 : i32 to vector<16xi32>
        %add3A_156 = arith.addi %add3A_153, %add3A_155 : vector<16xi32>
        %add3A_157 = arith.constant 0 : i32
        %add3A_158 = vector.broadcast %add3A_157 : i32 to vector<16xi32>
        %add3A_159 = arith.addi %add3A_156, %add3A_158 : vector<16xi32>
        %gather3A = tpu.vector_load_idx %arg7[%add3A_159] : memref<8192xf32, #tpu.memory_space<vmem>>[vector<16xi32>], vector<16xf32>,
        %add3A_160 = arith.constant 16 : i32
        %add3A_161 = vector.broadcast %add3A_160 : i32 to vector<16xi32>
        %add3A_162 = arith.addi %add3A_156, %add3A_161 : vector<16xi32>
        %gather3A_163 = tpu.vector_load_idx %arg7[%add3A_162] : memref<8192xf32, #tpu.memory_space<vmem>>[vector<16xi32>], vector<16xf32>,
        %add3A_164 = arith.constant 32 : i32
        %add3A_165 = vector.broadcast %add3A_164 : i32 to vector<16xi32>
        %add3A_166 = arith.addi %add3A_156, %add3A_165 : vector<16xi32>
        %gather3A_167 = tpu.vector_load_idx %arg7[%add3A_166] : memref<8192xf32, #tpu.memory_space<vmem>>[vector<16xi32>], vector<16xf32>,
        %add3A_168 = arith.constant 48 : i32
        %add3A_169 = vector.broadcast %add3A_168 : i32 to vector<16xi32>
        %add3A_170 = arith.addi %add3A_156, %add3A_169 : vector<16xi32>
        %gather3A_171 = tpu.vector_load_idx %arg7[%add3A_170] : memref<8192xf32, #tpu.memory_space<vmem>>[vector<16xi32>], vector<16xf32>,
        %add3A_172 = arith.constant 64 : i32
        %add3A_173 = vector.broadcast %add3A_172 : i32 to vector<16xi32>
        %add3A_174 = arith.addi %add3A_156, %add3A_173 : vector<16xi32>
        %gather3A_175 = tpu.vector_load_idx %arg7[%add3A_174] : memref<8192xf32, #tpu.memory_space<vmem>>[vector<16xi32>], vector<16xf32>,
        %add3A_176 = arith.constant 80 : i32
        %add3A_177 = vector.broadcast %add3A_176 : i32 to vector<16xi32>
        %add3A_178 = arith.addi %add3A_156, %add3A_177 : vector<16xi32>
        %gather3A_179 = tpu.vector_load_idx %arg7[%add3A_178] : memref<8192xf32, #tpu.memory_space<vmem>>[vector<16xi32>], vector<16xf32>,
        %add3A_180 = arith.constant 96 : i32
        %add3A_181 = vector.broadcast %add3A_180 : i32 to vector<16xi32>
        %add3A_182 = arith.addi %add3A_156, %add3A_181 : vector<16xi32>
        %gather3A_183 = tpu.vector_load_idx %arg7[%add3A_182] : memref<8192xf32, #tpu.memory_space<vmem>>[vector<16xi32>], vector<16xf32>,
        %add3A_184 = arith.constant 112 : i32
        %add3A_185 = vector.broadcast %add3A_184 : i32 to vector<16xi32>
        %add3A_186 = arith.addi %add3A_156, %add3A_185 : vector<16xi32>
        %gather3A_187 = tpu.vector_load_idx %arg7[%add3A_186] : memref<8192xf32, #tpu.memory_space<vmem>>[vector<16xi32>], vector<16xf32>,
        %add3A_188 = arith.constant 128 : i32
        %add3A_189 = vector.broadcast %add3A_188 : i32 to vector<16xi32>
        %add3A_190 = arith.addi %add3A_156, %add3A_189 : vector<16xi32>
        %gather3A_191 = tpu.vector_load_idx %arg7[%add3A_190] : memref<8192xf32, #tpu.memory_space<vmem>>[vector<16xi32>], vector<16xf32>,
        %add3A_192 = arith.constant 144 : i32
        %add3A_193 = vector.broadcast %add3A_192 : i32 to vector<16xi32>
        %add3A_194 = arith.addi %add3A_156, %add3A_193 : vector<16xi32>
        %gather3A_195 = tpu.vector_load_idx %arg7[%add3A_194] : memref<8192xf32, #tpu.memory_space<vmem>>[vector<16xi32>], vector<16xf32>,
        %add3A_196 = arith.constant 160 : i32
        %add3A_197 = vector.broadcast %add3A_196 : i32 to vector<16xi32>
        %add3A_198 = arith.addi %add3A_156, %add3A_197 : vector<16xi32>
        %gather3A_199 = tpu.vector_load_idx %arg7[%add3A_198] : memref<8192xf32, #tpu.memory_space<vmem>>[vector<16xi32>], vector<16xf32>,
        %add3A_200 = arith.constant 176 : i32
        %add3A_201 = vector.broadcast %add3A_200 : i32 to vector<16xi32>
        %add3A_202 = arith.addi %add3A_156, %add3A_201 : vector<16xi32>
        %gather3A_203 = tpu.vector_load_idx %arg7[%add3A_202] : memref<8192xf32, #tpu.memory_space<vmem>>[vector<16xi32>], vector<16xf32>,
        %add3A_204 = arith.constant 192 : i32
        %add3A_205 = vector.broadcast %add3A_204 : i32 to vector<16xi32>
        %add3A_206 = arith.addi %add3A_156, %add3A_205 : vector<16xi32>
        %gather3A_207 = tpu.vector_load_idx %arg7[%add3A_206] : memref<8192xf32, #tpu.memory_space<vmem>>[vector<16xi32>], vector<16xf32>,
        %add3A_208 = arith.constant 208 : i32
        %add3A_209 = vector.broadcast %add3A_208 : i32 to vector<16xi32>
        %add3A_210 = arith.addi %add3A_156, %add3A_209 : vector<16xi32>
        %gather3A_211 = tpu.vector_load_idx %arg7[%add3A_210] : memref<8192xf32, #tpu.memory_space<vmem>>[vector<16xi32>], vector<16xf32>,
        %add3A_212 = arith.constant 224 : i32
        %add3A_213 = vector.broadcast %add3A_212 : i32 to vector<16xi32>
        %add3A_214 = arith.addi %add3A_156, %add3A_213 : vector<16xi32>
        %gather3A_215 = tpu.vector_load_idx %arg7[%add3A_214] : memref<8192xf32, #tpu.memory_space<vmem>>[vector<16xi32>], vector<16xf32>,
        %add3A_216 = arith.constant 240 : i32
        %add3A_217 = vector.broadcast %add3A_216 : i32 to vector<16xi32>
        %add3A_218 = arith.addi %add3A_156, %add3A_217 : vector<16xi32>
        %gather3A_219 = tpu.vector_load_idx %arg7[%add3A_218] : memref<8192xf32, #tpu.memory_space<vmem>>[vector<16xi32>], vector<16xf32>,
        %swap3A = arith.constant 0 : i32
        %swap3A_220 = arith.index_cast %swap3A : i32 to index
        %swap3A_221 = arith.index_cast %mul3A_146 : i32 to index
        %swap3A_222 = tpu.vector_load %arg9[%swap3A_220, %swap3A_221] {strides = array<i32>} : memref<16x2048xf32, #tpu.memory_space<vmem>>, vector<16xf32>,
        tpu.vector_store %arg9[%swap3A_220, %swap3A_221], %gather3A {strides = array<i32>} : memref<16x2048xf32, #tpu.memory_space<vmem>>, vector<16xf32>,
        %swap3A_223 = arith.constant 1 : i32
        %swap3A_224 = arith.index_cast %swap3A_223 : i32 to index
        %swap3A_225 = arith.index_cast %mul3A_146 : i32 to index
        %swap3A_226 = tpu.vector_load %arg9[%swap3A_224, %swap3A_225] {strides = array<i32>} : memref<16x2048xf32, #tpu.memory_space<vmem>>, vector<16xf32>,
        tpu.vector_store %arg9[%swap3A_224, %swap3A_225], %gather3A_163 {strides = array<i32>} : memref<16x2048xf32, #tpu.memory_space<vmem>>, vector<16xf32>,
        %swap3A_227 = arith.constant 2 : i32
        %swap3A_228 = arith.index_cast %swap3A_227 : i32 to index
        %swap3A_229 = arith.index_cast %mul3A_146 : i32 to index
        %swap3A_230 = tpu.vector_load %arg9[%swap3A_228, %swap3A_229] {strides = array<i32>} : memref<16x2048xf32, #tpu.memory_space<vmem>>, vector<16xf32>,
        tpu.vector_store %arg9[%swap3A_228, %swap3A_229], %gather3A_167 {strides = array<i32>} : memref<16x2048xf32, #tpu.memory_space<vmem>>, vector<16xf32>,
        %swap3A_231 = arith.constant 3 : i32
        %swap3A_232 = arith.index_cast %swap3A_231 : i32 to index
        %swap3A_233 = arith.index_cast %mul3A_146 : i32 to index
        %swap3A_234 = tpu.vector_load %arg9[%swap3A_232, %swap3A_233] {strides = array<i32>} : memref<16x2048xf32, #tpu.memory_space<vmem>>, vector<16xf32>,
        tpu.vector_store %arg9[%swap3A_232, %swap3A_233], %gather3A_171 {strides = array<i32>} : memref<16x2048xf32, #tpu.memory_space<vmem>>, vector<16xf32>,
        %swap3A_235 = arith.constant 4 : i32
        %swap3A_236 = arith.index_cast %swap3A_235 : i32 to index
        %swap3A_237 = arith.index_cast %mul3A_146 : i32 to index
        %swap3A_238 = tpu.vector_load %arg9[%swap3A_236, %swap3A_237] {strides = array<i32>} : memref<16x2048xf32, #tpu.memory_space<vmem>>, vector<16xf32>,
        tpu.vector_store %arg9[%swap3A_236, %swap3A_237], %gather3A_175 {strides = array<i32>} : memref<16x2048xf32, #tpu.memory_space<vmem>>, vector<16xf32>,
        %swap3A_239 = arith.constant 5 : i32
        %swap3A_240 = arith.index_cast %swap3A_239 : i32 to index
        %swap3A_241 = arith.index_cast %mul3A_146 : i32 to index
        %swap3A_242 = tpu.vector_load %arg9[%swap3A_240, %swap3A_241] {strides = array<i32>} : memref<16x2048xf32, #tpu.memory_space<vmem>>, vector<16xf32>,
        tpu.vector_store %arg9[%swap3A_240, %swap3A_241], %gather3A_179 {strides = array<i32>} : memref<16x2048xf32, #tpu.memory_space<vmem>>, vector<16xf32>,
        %swap3A_243 = arith.constant 6 : i32
        %swap3A_244 = arith.index_cast %swap3A_243 : i32 to index
        %swap3A_245 = arith.index_cast %mul3A_146 : i32 to index
        %swap3A_246 = tpu.vector_load %arg9[%swap3A_244, %swap3A_245] {strides = array<i32>} : memref<16x2048xf32, #tpu.memory_space<vmem>>, vector<16xf32>,
        tpu.vector_store %arg9[%swap3A_244, %swap3A_245], %gather3A_183 {strides = array<i32>} : memref<16x2048xf32, #tpu.memory_space<vmem>>, vector<16xf32>,
        %swap3A_247 = arith.constant 7 : i32
        %swap3A_248 = arith.index_cast %swap3A_247 : i32 to index
        %swap3A_249 = arith.index_cast %mul3A_146 : i32 to index
        %swap3A_250 = tpu.vector_load %arg9[%swap3A_248, %swap3A_249] {strides = array<i32>} : memref<16x2048xf32, #tpu.memory_space<vmem>>, vector<16xf32>,
        tpu.vector_store %arg9[%swap3A_248, %swap3A_249], %gather3A_187 {strides = array<i32>} : memref<16x2048xf32, #tpu.memory_space<vmem>>, vector<16xf32>,
        %swap3A_251 = arith.constant 8 : i32
        %swap3A_252 = arith.index_cast %swap3A_251 : i32 to index
        %swap3A_253 = arith.index_cast %mul3A_146 : i32 to index
        %swap3A_254 = tpu.vector_load %arg9[%swap3A_252, %swap3A_253] {strides = array<i32>} : memref<16x2048xf32, #tpu.memory_space<vmem>>, vector<16xf32>,
        tpu.vector_store %arg9[%swap3A_252, %swap3A_253], %gather3A_191 {strides = array<i32>} : memref<16x2048xf32, #tpu.memory_space<vmem>>, vector<16xf32>,
        %swap3A_255 = arith.constant 9 : i32
        %swap3A_256 = arith.index_cast %swap3A_255 : i32 to index
        %swap3A_257 = arith.index_cast %mul3A_146 : i32 to index
        %swap3A_258 = tpu.vector_load %arg9[%swap3A_256, %swap3A_257] {strides = array<i32>} : memref<16x2048xf32, #tpu.memory_space<vmem>>, vector<16xf32>,
        tpu.vector_store %arg9[%swap3A_256, %swap3A_257], %gather3A_195 {strides = array<i32>} : memref<16x2048xf32, #tpu.memory_space<vmem>>, vector<16xf32>,
        %swap3A_259 = arith.constant 10 : i32
        %swap3A_260 = arith.index_cast %swap3A_259 : i32 to index
        %swap3A_261 = arith.index_cast %mul3A_146 : i32 to index
        %swap3A_262 = tpu.vector_load %arg9[%swap3A_260, %swap3A_261] {strides = array<i32>} : memref<16x2048xf32, #tpu.memory_space<vmem>>, vector<16xf32>,
        tpu.vector_store %arg9[%swap3A_260, %swap3A_261], %gather3A_199 {strides = array<i32>} : memref<16x2048xf32, #tpu.memory_space<vmem>>, vector<16xf32>,
        %swap3A_263 = arith.constant 11 : i32
        %swap3A_264 = arith.index_cast %swap3A_263 : i32 to index
        %swap3A_265 = arith.index_cast %mul3A_146 : i32 to index
        %swap3A_266 = tpu.vector_load %arg9[%swap3A_264, %swap3A_265] {strides = array<i32>} : memref<16x2048xf32, #tpu.memory_space<vmem>>, vector<16xf32>,
        tpu.vector_store %arg9[%swap3A_264, %swap3A_265], %gather3A_203 {strides = array<i32>} : memref<16x2048xf32, #tpu.memory_space<vmem>>, vector<16xf32>,
        %swap3A_267 = arith.constant 12 : i32
        %swap3A_268 = arith.index_cast %swap3A_267 : i32 to index
        %swap3A_269 = arith.index_cast %mul3A_146 : i32 to index
        %swap3A_270 = tpu.vector_load %arg9[%swap3A_268, %swap3A_269] {strides = array<i32>} : memref<16x2048xf32, #tpu.memory_space<vmem>>, vector<16xf32>,
        tpu.vector_store %arg9[%swap3A_268, %swap3A_269], %gather3A_207 {strides = array<i32>} : memref<16x2048xf32, #tpu.memory_space<vmem>>, vector<16xf32>,
        %swap3A_271 = arith.constant 13 : i32
        %swap3A_272 = arith.index_cast %swap3A_271 : i32 to index
        %swap3A_273 = arith.index_cast %mul3A_146 : i32 to index
        %swap3A_274 = tpu.vector_load %arg9[%swap3A_272, %swap3A_273] {strides = array<i32>} : memref<16x2048xf32, #tpu.memory_space<vmem>>, vector<16xf32>,
        tpu.vector_store %arg9[%swap3A_272, %swap3A_273], %gather3A_211 {strides = array<i32>} : memref<16x2048xf32, #tpu.memory_space<vmem>>, vector<16xf32>,
        %swap3A_275 = arith.constant 14 : i32
        %swap3A_276 = arith.index_cast %swap3A_275 : i32 to index
        %swap3A_277 = arith.index_cast %mul3A_146 : i32 to index
        %swap3A_278 = tpu.vector_load %arg9[%swap3A_276, %swap3A_277] {strides = array<i32>} : memref<16x2048xf32, #tpu.memory_space<vmem>>, vector<16xf32>,
        tpu.vector_store %arg9[%swap3A_276, %swap3A_277], %gather3A_215 {strides = array<i32>} : memref<16x2048xf32, #tpu.memory_space<vmem>>, vector<16xf32>,
        %swap3A_279 = arith.constant 15 : i32
        %swap3A_280 = arith.index_cast %swap3A_279 : i32 to index
        %swap3A_281 = arith.index_cast %mul3A_146 : i32 to index
        %swap3A_282 = tpu.vector_load %arg9[%swap3A_280, %swap3A_281] {strides = array<i32>} : memref<16x2048xf32, #tpu.memory_space<vmem>>, vector<16xf32>,
        tpu.vector_store %arg9[%swap3A_280, %swap3A_281], %gather3A_219 {strides = array<i32>} : memref<16x2048xf32, #tpu.memory_space<vmem>>, vector<16xf32>,
        %scan3A_283 = arith.constant 1 : i32
        %scan3A_284 = arith.addi %scan3A_144, %scan3A_283 : i32
        %mul3A_285 = arith.constant 16 : i32
        %mul3A_286 = arith.muli %scan3A_284, %mul3A_285 : i32
        %add3A_287 = arith.addi %mul3A_47, %mul3A_286 : i32
        %get3A_288 = arith.index_cast %add3A_287 : i32 to index
        %get3A_289 = tpu.vector_load %arg6[%get3A_288] {strides = array<i32>} : memref<4096xi32, #tpu.memory_space<vmem>>, vector<16xi32>,
        %mul3A_290 = arith.constant 1024 : i32
        %mul3A_291 = vector.broadcast %mul3A_290 : i32 to vector<16xi32>
        %mul3A_292 = arith.muli %get3A_289, %mul3A_291 : vector<16xi32>
        %add3A_293 = arith.addi %mul3A_292, %get3A_1 : vector<16xi32>
        %add3A_294 = arith.constant 512 : i32
        %add3A_295 = vector.broadcast %add3A_294 : i32 to vector<16xi32>
        %add3A_296 = arith.addi %add3A_293, %add3A_295 : vector<16xi32>
        %add3A_297 = arith.constant 0 : i32
        %add3A_298 = vector.broadcast %add3A_297 : i32 to vector<16xi32>
        %add3A_299 = arith.addi %add3A_296, %add3A_298 : vector<16xi32>
        %gather3A_300 = tpu.vector_load_idx %arg7[%add3A_299] : memref<8192xf32, #tpu.memory_space<vmem>>[vector<16xi32>], vector<16xf32>,
        %add3A_301 = arith.constant 16 : i32
        %add3A_302 = vector.broadcast %add3A_301 : i32 to vector<16xi32>
        %add3A_303 = arith.addi %add3A_296, %add3A_302 : vector<16xi32>
        %gather3A_304 = tpu.vector_load_idx %arg7[%add3A_303] : memref<8192xf32, #tpu.memory_space<vmem>>[vector<16xi32>], vector<16xf32>,
        %add3A_305 = arith.constant 32 : i32
        %add3A_306 = vector.broadcast %add3A_305 : i32 to vector<16xi32>
        %add3A_307 = arith.addi %add3A_296, %add3A_306 : vector<16xi32>
        %gather3A_308 = tpu.vector_load_idx %arg7[%add3A_307] : memref<8192xf32, #tpu.memory_space<vmem>>[vector<16xi32>], vector<16xf32>,
        %add3A_309 = arith.constant 48 : i32
        %add3A_310 = vector.broadcast %add3A_309 : i32 to vector<16xi32>
        %add3A_311 = arith.addi %add3A_296, %add3A_310 : vector<16xi32>
        %gather3A_312 = tpu.vector_load_idx %arg7[%add3A_311] : memref<8192xf32, #tpu.memory_space<vmem>>[vector<16xi32>], vector<16xf32>,
        %add3A_313 = arith.constant 64 : i32
        %add3A_314 = vector.broadcast %add3A_313 : i32 to vector<16xi32>
        %add3A_315 = arith.addi %add3A_296, %add3A_314 : vector<16xi32>
        %gather3A_316 = tpu.vector_load_idx %arg7[%add3A_315] : memref<8192xf32, #tpu.memory_space<vmem>>[vector<16xi32>], vector<16xf32>,
        %add3A_317 = arith.constant 80 : i32
        %add3A_318 = vector.broadcast %add3A_317 : i32 to vector<16xi32>
        %add3A_319 = arith.addi %add3A_296, %add3A_318 : vector<16xi32>
        %gather3A_320 = tpu.vector_load_idx %arg7[%add3A_319] : memref<8192xf32, #tpu.memory_space<vmem>>[vector<16xi32>], vector<16xf32>,
        %add3A_321 = arith.constant 96 : i32
        %add3A_322 = vector.broadcast %add3A_321 : i32 to vector<16xi32>
        %add3A_323 = arith.addi %add3A_296, %add3A_322 : vector<16xi32>
        %gather3A_324 = tpu.vector_load_idx %arg7[%add3A_323] : memref<8192xf32, #tpu.memory_space<vmem>>[vector<16xi32>], vector<16xf32>,
        %add3A_325 = arith.constant 112 : i32
        %add3A_326 = vector.broadcast %add3A_325 : i32 to vector<16xi32>
        %add3A_327 = arith.addi %add3A_296, %add3A_326 : vector<16xi32>
        %gather3A_328 = tpu.vector_load_idx %arg7[%add3A_327] : memref<8192xf32, #tpu.memory_space<vmem>>[vector<16xi32>], vector<16xf32>,
        %add3A_329 = arith.constant 128 : i32
        %add3A_330 = vector.broadcast %add3A_329 : i32 to vector<16xi32>
        %add3A_331 = arith.addi %add3A_296, %add3A_330 : vector<16xi32>
        %gather3A_332 = tpu.vector_load_idx %arg7[%add3A_331] : memref<8192xf32, #tpu.memory_space<vmem>>[vector<16xi32>], vector<16xf32>,
        %add3A_333 = arith.constant 144 : i32
        %add3A_334 = vector.broadcast %add3A_333 : i32 to vector<16xi32>
        %add3A_335 = arith.addi %add3A_296, %add3A_334 : vector<16xi32>
        %gather3A_336 = tpu.vector_load_idx %arg7[%add3A_335] : memref<8192xf32, #tpu.memory_space<vmem>>[vector<16xi32>], vector<16xf32>,
        %add3A_337 = arith.constant 160 : i32
        %add3A_338 = vector.broadcast %add3A_337 : i32 to vector<16xi32>
        %add3A_339 = arith.addi %add3A_296, %add3A_338 : vector<16xi32>
        %gather3A_340 = tpu.vector_load_idx %arg7[%add3A_339] : memref<8192xf32, #tpu.memory_space<vmem>>[vector<16xi32>], vector<16xf32>,
        %add3A_341 = arith.constant 176 : i32
        %add3A_342 = vector.broadcast %add3A_341 : i32 to vector<16xi32>
        %add3A_343 = arith.addi %add3A_296, %add3A_342 : vector<16xi32>
        %gather3A_344 = tpu.vector_load_idx %arg7[%add3A_343] : memref<8192xf32, #tpu.memory_space<vmem>>[vector<16xi32>], vector<16xf32>,
        %add3A_345 = arith.constant 192 : i32
        %add3A_346 = vector.broadcast %add3A_345 : i32 to vector<16xi32>
        %add3A_347 = arith.addi %add3A_296, %add3A_346 : vector<16xi32>
        %gather3A_348 = tpu.vector_load_idx %arg7[%add3A_347] : memref<8192xf32, #tpu.memory_space<vmem>>[vector<16xi32>], vector<16xf32>,
        %add3A_349 = arith.constant 208 : i32
        %add3A_350 = vector.broadcast %add3A_349 : i32 to vector<16xi32>
        %add3A_351 = arith.addi %add3A_296, %add3A_350 : vector<16xi32>
        %gather3A_352 = tpu.vector_load_idx %arg7[%add3A_351] : memref<8192xf32, #tpu.memory_space<vmem>>[vector<16xi32>], vector<16xf32>,
        %add3A_353 = arith.constant 224 : i32
        %add3A_354 = vector.broadcast %add3A_353 : i32 to vector<16xi32>
        %add3A_355 = arith.addi %add3A_296, %add3A_354 : vector<16xi32>
        %gather3A_356 = tpu.vector_load_idx %arg7[%add3A_355] : memref<8192xf32, #tpu.memory_space<vmem>>[vector<16xi32>], vector<16xf32>,
        %add3A_357 = arith.constant 240 : i32
        %add3A_358 = vector.broadcast %add3A_357 : i32 to vector<16xi32>
        %add3A_359 = arith.addi %add3A_296, %add3A_358 : vector<16xi32>
        %gather3A_360 = tpu.vector_load_idx %arg7[%add3A_359] : memref<8192xf32, #tpu.memory_space<vmem>>[vector<16xi32>], vector<16xf32>,
        %swap3A_361 = arith.constant 0 : i32
        %swap3A_362 = arith.index_cast %swap3A_361 : i32 to index
        %swap3A_363 = arith.index_cast %mul3A_286 : i32 to index
        %swap3A_364 = tpu.vector_load %arg9[%swap3A_362, %swap3A_363] {strides = array<i32>} : memref<16x2048xf32, #tpu.memory_space<vmem>>, vector<16xf32>,
        tpu.vector_store %arg9[%swap3A_362, %swap3A_363], %gather3A_300 {strides = array<i32>} : memref<16x2048xf32, #tpu.memory_space<vmem>>, vector<16xf32>,
        %swap3A_365 = arith.constant 1 : i32
        %swap3A_366 = arith.index_cast %swap3A_365 : i32 to index
        %swap3A_367 = arith.index_cast %mul3A_286 : i32 to index
        %swap3A_368 = tpu.vector_load %arg9[%swap3A_366, %swap3A_367] {strides = array<i32>} : memref<16x2048xf32, #tpu.memory_space<vmem>>, vector<16xf32>,
        tpu.vector_store %arg9[%swap3A_366, %swap3A_367], %gather3A_304 {strides = array<i32>} : memref<16x2048xf32, #tpu.memory_space<vmem>>, vector<16xf32>,
        %swap3A_369 = arith.constant 2 : i32
        %swap3A_370 = arith.index_cast %swap3A_369 : i32 to index
        %swap3A_371 = arith.index_cast %mul3A_286 : i32 to index
        %swap3A_372 = tpu.vector_load %arg9[%swap3A_370, %swap3A_371] {strides = array<i32>} : memref<16x2048xf32, #tpu.memory_space<vmem>>, vector<16xf32>,
        tpu.vector_store %arg9[%swap3A_370, %swap3A_371], %gather3A_308 {strides = array<i32>} : memref<16x2048xf32, #tpu.memory_space<vmem>>, vector<16xf32>,
        %swap3A_373 = arith.constant 3 : i32
        %swap3A_374 = arith.index_cast %swap3A_373 : i32 to index
        %swap3A_375 = arith.index_cast %mul3A_286 : i32 to index
        %swap3A_376 = tpu.vector_load %arg9[%swap3A_374, %swap3A_375] {strides = array<i32>} : memref<16x2048xf32, #tpu.memory_space<vmem>>, vector<16xf32>,
        tpu.vector_store %arg9[%swap3A_374, %swap3A_375], %gather3A_312 {strides = array<i32>} : memref<16x2048xf32, #tpu.memory_space<vmem>>, vector<16xf32>,
        %swap3A_377 = arith.constant 4 : i32
        %swap3A_378 = arith.index_cast %swap3A_377 : i32 to index
        %swap3A_379 = arith.index_cast %mul3A_286 : i32 to index
        %swap3A_380 = tpu.vector_load %arg9[%swap3A_378, %swap3A_379] {strides = array<i32>} : memref<16x2048xf32, #tpu.memory_space<vmem>>, vector<16xf32>,
        tpu.vector_store %arg9[%swap3A_378, %swap3A_379], %gather3A_316 {strides = array<i32>} : memref<16x2048xf32, #tpu.memory_space<vmem>>, vector<16xf32>,
        %swap3A_381 = arith.constant 5 : i32
        %swap3A_382 = arith.index_cast %swap3A_381 : i32 to index
        %swap3A_383 = arith.index_cast %mul3A_286 : i32 to index
        %swap3A_384 = tpu.vector_load %arg9[%swap3A_382, %swap3A_383] {strides = array<i32>} : memref<16x2048xf32, #tpu.memory_space<vmem>>, vector<16xf32>,
        tpu.vector_store %arg9[%swap3A_382, %swap3A_383], %gather3A_320 {strides = array<i32>} : memref<16x2048xf32, #tpu.memory_space<vmem>>, vector<16xf32>,
        %swap3A_385 = arith.constant 6 : i32
        %swap3A_386 = arith.index_cast %swap3A_385 : i32 to index
        %swap3A_387 = arith.index_cast %mul3A_286 : i32 to index
        %swap3A_388 = tpu.vector_load %arg9[%swap3A_386, %swap3A_387] {strides = array<i32>} : memref<16x2048xf32, #tpu.memory_space<vmem>>, vector<16xf32>,
        tpu.vector_store %arg9[%swap3A_386, %swap3A_387], %gather3A_324 {strides = array<i32>} : memref<16x2048xf32, #tpu.memory_space<vmem>>, vector<16xf32>,
        %swap3A_389 = arith.constant 7 : i32
        %swap3A_390 = arith.index_cast %swap3A_389 : i32 to index
        %swap3A_391 = arith.index_cast %mul3A_286 : i32 to index
        %swap3A_392 = tpu.vector_load %arg9[%swap3A_390, %swap3A_391] {strides = array<i32>} : memref<16x2048xf32, #tpu.memory_space<vmem>>, vector<16xf32>,
        tpu.vector_store %arg9[%swap3A_390, %swap3A_391], %gather3A_328 {strides = array<i32>} : memref<16x2048xf32, #tpu.memory_space<vmem>>, vector<16xf32>,
        %swap3A_393 = arith.constant 8 : i32
        %swap3A_394 = arith.index_cast %swap3A_393 : i32 to index
        %swap3A_395 = arith.index_cast %mul3A_286 : i32 to index
        %swap3A_396 = tpu.vector_load %arg9[%swap3A_394, %swap3A_395] {strides = array<i32>} : memref<16x2048xf32, #tpu.memory_space<vmem>>, vector<16xf32>,
        tpu.vector_store %arg9[%swap3A_394, %swap3A_395], %gather3A_332 {strides = array<i32>} : memref<16x2048xf32, #tpu.memory_space<vmem>>, vector<16xf32>,
        %swap3A_397 = arith.constant 9 : i32
        %swap3A_398 = arith.index_cast %swap3A_397 : i32 to index
        %swap3A_399 = arith.index_cast %mul3A_286 : i32 to index
        %swap3A_400 = tpu.vector_load %arg9[%swap3A_398, %swap3A_399] {strides = array<i32>} : memref<16x2048xf32, #tpu.memory_space<vmem>>, vector<16xf32>,
        tpu.vector_store %arg9[%swap3A_398, %swap3A_399], %gather3A_336 {strides = array<i32>} : memref<16x2048xf32, #tpu.memory_space<vmem>>, vector<16xf32>,
        %swap3A_401 = arith.constant 10 : i32
        %swap3A_402 = arith.index_cast %swap3A_401 : i32 to index
        %swap3A_403 = arith.index_cast %mul3A_286 : i32 to index
        %swap3A_404 = tpu.vector_load %arg9[%swap3A_402, %swap3A_403] {strides = array<i32>} : memref<16x2048xf32, #tpu.memory_space<vmem>>, vector<16xf32>,
        tpu.vector_store %arg9[%swap3A_402, %swap3A_403], %gather3A_340 {strides = array<i32>} : memref<16x2048xf32, #tpu.memory_space<vmem>>, vector<16xf32>,
        %swap3A_405 = arith.constant 11 : i32
        %swap3A_406 = arith.index_cast %swap3A_405 : i32 to index
        %swap3A_407 = arith.index_cast %mul3A_286 : i32 to index
        %swap3A_408 = tpu.vector_load %arg9[%swap3A_406, %swap3A_407] {strides = array<i32>} : memref<16x2048xf32, #tpu.memory_space<vmem>>, vector<16xf32>,
        tpu.vector_store %arg9[%swap3A_406, %swap3A_407], %gather3A_344 {strides = array<i32>} : memref<16x2048xf32, #tpu.memory_space<vmem>>, vector<16xf32>,
        %swap3A_409 = arith.constant 12 : i32
        %swap3A_410 = arith.index_cast %swap3A_409 : i32 to index
        %swap3A_411 = arith.index_cast %mul3A_286 : i32 to index
        %swap3A_412 = tpu.vector_load %arg9[%swap3A_410, %swap3A_411] {strides = array<i32>} : memref<16x2048xf32, #tpu.memory_space<vmem>>, vector<16xf32>,
        tpu.vector_store %arg9[%swap3A_410, %swap3A_411], %gather3A_348 {strides = array<i32>} : memref<16x2048xf32, #tpu.memory_space<vmem>>, vector<16xf32>,
        %swap3A_413 = arith.constant 13 : i32
        %swap3A_414 = arith.index_cast %swap3A_413 : i32 to index
        %swap3A_415 = arith.index_cast %mul3A_286 : i32 to index
        %swap3A_416 = tpu.vector_load %arg9[%swap3A_414, %swap3A_415] {strides = array<i32>} : memref<16x2048xf32, #tpu.memory_space<vmem>>, vector<16xf32>,
        tpu.vector_store %arg9[%swap3A_414, %swap3A_415], %gather3A_352 {strides = array<i32>} : memref<16x2048xf32, #tpu.memory_space<vmem>>, vector<16xf32>,
        %swap3A_417 = arith.constant 14 : i32
        %swap3A_418 = arith.index_cast %swap3A_417 : i32 to index
        %swap3A_419 = arith.index_cast %mul3A_286 : i32 to index
        %swap3A_420 = tpu.vector_load %arg9[%swap3A_418, %swap3A_419] {strides = array<i32>} : memref<16x2048xf32, #tpu.memory_space<vmem>>, vector<16xf32>,
        tpu.vector_store %arg9[%swap3A_418, %swap3A_419], %gather3A_356 {strides = array<i32>} : memref<16x2048xf32, #tpu.memory_space<vmem>>, vector<16xf32>,
        %swap3A_421 = arith.constant 15 : i32
        %swap3A_422 = arith.index_cast %swap3A_421 : i32 to index
        %swap3A_423 = arith.index_cast %mul3A_286 : i32 to index
        %swap3A_424 = tpu.vector_load %arg9[%swap3A_422, %swap3A_423] {strides = array<i32>} : memref<16x2048xf32, #tpu.memory_space<vmem>>, vector<16xf32>,
        tpu.vector_store %arg9[%swap3A_422, %swap3A_423], %gather3A_360 {strides = array<i32>} : memref<16x2048xf32, #tpu.memory_space<vmem>>, vector<16xf32>,
      }
      %scan3A_112 = arith.constant 128 : i32
      %dma_start3A_113 = arith.constant 32 : i32
      %dma_start3A_114 = arith.constant 0 : i32
      %dma_start3A_115 = tpu.memref_slice %arg5[%add3A_36, %dma_start3A_113, %dma_start3A_114] : memref<1024x64x2048xf32, #tpu.memory_space<hbm>> -> memref<1x16x2048xf32, #tpu.memory_space<hbm>>
      %dma_start3A_116 = tpu.memref_squeeze %dma_start3A_115 : memref<1x16x2048xf32, #tpu.memory_space<hbm>> -> memref<16x2048xf32, #tpu.memory_space<hbm>>
      %dma_start3A_117 = arith.constant 32 : i32
      %dma_start3A_118 = arith.constant 0 : i32
      %dma_start3A_119 = tpu.memref_slice %arg5[%add3A_36, %dma_start3A_117, %dma_start3A_118] : memref<1024x64x2048xf32, #tpu.memory_space<hbm>> -> memref<1x16x2048xf32, #tpu.memory_space<hbm>>
      %dma_start3A_120 = tpu.memref_squeeze %dma_start3A_119 : memref<1x16x2048xf32, #tpu.memory_space<hbm>> -> memref<16x2048xf32, #tpu.memory_space<hbm>>
      tpu.enqueue_dma source(%arg9 : memref<16x2048xf32, #tpu.memory_space<vmem>>) target(%dma_start3A_120 : memref<16x2048xf32, #tpu.memory_space<hbm>>) target_semaphore(%arg11 : memref<!tpu.dma_semaphore, #tpu.memory_space<semaphore_mem>>)
      %dma_wait3A_121 = arith.constant 0 : i32
      %dma_wait3A_122 = arith.constant 0 : i32
      %dma_wait3A_123 = arith.constant 0 : i32
      %dma_wait3A_124 = tpu.memref_slice %arg5[%dma_wait3A_121, %dma_wait3A_122, %dma_wait3A_123] : memref<1024x64x2048xf32, #tpu.memory_space<hbm>> -> memref<1x16x2048xf32, #tpu.memory_space<hbm>>
      %dma_wait3A_125 = tpu.memref_squeeze %dma_wait3A_124 : memref<1x16x2048xf32, #tpu.memory_space<hbm>> -> memref<16x2048xf32, #tpu.memory_space<hbm>>
      %dma_wait3A_126 = arith.constant 0 : i32
      %dma_wait3A_127 = arith.constant 0 : i32
      %dma_wait3A_128 = tpu.memref_slice %arg5[%dma_wait3A_121, %dma_wait3A_126, %dma_wait3A_127] : memref<1024x64x2048xf32, #tpu.memory_space<hbm>> -> memref<1x16x2048xf32, #tpu.memory_space<hbm>>
      %dma_wait3A_129 = tpu.memref_squeeze %dma_wait3A_128 : memref<1x16x2048xf32, #tpu.memory_space<hbm>> -> memref<16x2048xf32, #tpu.memory_space<hbm>>
      tpu.wait_dma2 semaphore(%arg12 : memref<!tpu.dma_semaphore, #tpu.memory_space<semaphore_mem>>) src(%arg10 : memref<16x2048xf32, #tpu.memory_space<vmem>>) dst(%dma_wait3A_129 : memref<16x2048xf32, #tpu.memory_space<hbm>>)
      %scan3A_130 = arith.constant 0 : i32
      %scan3A_131 = arith.constant 0 : i32
      %scan3A_132 = arith.constant 128 : i32
      %scan3A_133 = arith.addi %scan3A_131, %scan3A_132 : i32
      %scan3A_134 = arith.constant 2 : i32
      scf.for %scan3A_144 = %scan3A_131 to %scan3A_133 step %scan3A_134  : i32 {
        %mul3A_145 = arith.constant 16 : i32
        %mul3A_146 = arith.muli %scan3A_144, %mul3A_145 : i32
        %add3A_147 = arith.addi %mul3A_47, %mul3A_146 : i32
        %get3A_148 = arith.index_cast %add3A_147 : i32 to index
        %get3A_149 = tpu.vector_load %arg6[%get3A_148] {strides = array<i32>} : memref<4096xi32, #tpu.memory_space<vmem>>, vector<16xi32>,
        %mul3A_150 = arith.constant 1024 : i32
        %mul3A_151 = vector.broadcast %mul3A_150 : i32 to vector<16xi32>
        %mul3A_152 = arith.muli %get3A_149, %mul3A_151 : vector<16xi32>
        %add3A_153 = arith.addi %mul3A_152, %get3A_1 : vector<16xi32>
        %add3A_154 = arith.constant 768 : i32
        %add3A_155 = vector.broadcast %add3A_154 : i32 to vector<16xi32>
        %add3A_156 = arith.addi %add3A_153, %add3A_155 : vector<16xi32>
        %add3A_157 = arith.constant 0 : i32
        %add3A_158 = vector.broadcast %add3A_157 : i32 to vector<16xi32>
        %add3A_159 = arith.addi %add3A_156, %add3A_158 : vector<16xi32>
        %gather3A = tpu.vector_load_idx %arg7[%add3A_159] : memref<8192xf32, #tpu.memory_space<vmem>>[vector<16xi32>], vector<16xf32>,
        %add3A_160 = arith.constant 16 : i32
        %add3A_161 = vector.broadcast %add3A_160 : i32 to vector<16xi32>
        %add3A_162 = arith.addi %add3A_156, %add3A_161 : vector<16xi32>
        %gather3A_163 = tpu.vector_load_idx %arg7[%add3A_162] : memref<8192xf32, #tpu.memory_space<vmem>>[vector<16xi32>], vector<16xf32>,
        %add3A_164 = arith.constant 32 : i32
        %add3A_165 = vector.broadcast %add3A_164 : i32 to vector<16xi32>
        %add3A_166 = arith.addi %add3A_156, %add3A_165 : vector<16xi32>
        %gather3A_167 = tpu.vector_load_idx %arg7[%add3A_166] : memref<8192xf32, #tpu.memory_space<vmem>>[vector<16xi32>], vector<16xf32>,
        %add3A_168 = arith.constant 48 : i32
        %add3A_169 = vector.broadcast %add3A_168 : i32 to vector<16xi32>
        %add3A_170 = arith.addi %add3A_156, %add3A_169 : vector<16xi32>
        %gather3A_171 = tpu.vector_load_idx %arg7[%add3A_170] : memref<8192xf32, #tpu.memory_space<vmem>>[vector<16xi32>], vector<16xf32>,
        %add3A_172 = arith.constant 64 : i32
        %add3A_173 = vector.broadcast %add3A_172 : i32 to vector<16xi32>
        %add3A_174 = arith.addi %add3A_156, %add3A_173 : vector<16xi32>
        %gather3A_175 = tpu.vector_load_idx %arg7[%add3A_174] : memref<8192xf32, #tpu.memory_space<vmem>>[vector<16xi32>], vector<16xf32>,
        %add3A_176 = arith.constant 80 : i32
        %add3A_177 = vector.broadcast %add3A_176 : i32 to vector<16xi32>
        %add3A_178 = arith.addi %add3A_156, %add3A_177 : vector<16xi32>
        %gather3A_179 = tpu.vector_load_idx %arg7[%add3A_178] : memref<8192xf32, #tpu.memory_space<vmem>>[vector<16xi32>], vector<16xf32>,
        %add3A_180 = arith.constant 96 : i32
        %add3A_181 = vector.broadcast %add3A_180 : i32 to vector<16xi32>
        %add3A_182 = arith.addi %add3A_156, %add3A_181 : vector<16xi32>
        %gather3A_183 = tpu.vector_load_idx %arg7[%add3A_182] : memref<8192xf32, #tpu.memory_space<vmem>>[vector<16xi32>], vector<16xf32>,
        %add3A_184 = arith.constant 112 : i32
        %add3A_185 = vector.broadcast %add3A_184 : i32 to vector<16xi32>
        %add3A_186 = arith.addi %add3A_156, %add3A_185 : vector<16xi32>
        %gather3A_187 = tpu.vector_load_idx %arg7[%add3A_186] : memref<8192xf32, #tpu.memory_space<vmem>>[vector<16xi32>], vector<16xf32>,
        %add3A_188 = arith.constant 128 : i32
        %add3A_189 = vector.broadcast %add3A_188 : i32 to vector<16xi32>
        %add3A_190 = arith.addi %add3A_156, %add3A_189 : vector<16xi32>
        %gather3A_191 = tpu.vector_load_idx %arg7[%add3A_190] : memref<8192xf32, #tpu.memory_space<vmem>>[vector<16xi32>], vector<16xf32>,
        %add3A_192 = arith.constant 144 : i32
        %add3A_193 = vector.broadcast %add3A_192 : i32 to vector<16xi32>
        %add3A_194 = arith.addi %add3A_156, %add3A_193 : vector<16xi32>
        %gather3A_195 = tpu.vector_load_idx %arg7[%add3A_194] : memref<8192xf32, #tpu.memory_space<vmem>>[vector<16xi32>], vector<16xf32>,
        %add3A_196 = arith.constant 160 : i32
        %add3A_197 = vector.broadcast %add3A_196 : i32 to vector<16xi32>
        %add3A_198 = arith.addi %add3A_156, %add3A_197 : vector<16xi32>
        %gather3A_199 = tpu.vector_load_idx %arg7[%add3A_198] : memref<8192xf32, #tpu.memory_space<vmem>>[vector<16xi32>], vector<16xf32>,
        %add3A_200 = arith.constant 176 : i32
        %add3A_201 = vector.broadcast %add3A_200 : i32 to vector<16xi32>
        %add3A_202 = arith.addi %add3A_156, %add3A_201 : vector<16xi32>
        %gather3A_203 = tpu.vector_load_idx %arg7[%add3A_202] : memref<8192xf32, #tpu.memory_space<vmem>>[vector<16xi32>], vector<16xf32>,
        %add3A_204 = arith.constant 192 : i32
        %add3A_205 = vector.broadcast %add3A_204 : i32 to vector<16xi32>
        %add3A_206 = arith.addi %add3A_156, %add3A_205 : vector<16xi32>
        %gather3A_207 = tpu.vector_load_idx %arg7[%add3A_206] : memref<8192xf32, #tpu.memory_space<vmem>>[vector<16xi32>], vector<16xf32>,
        %add3A_208 = arith.constant 208 : i32
        %add3A_209 = vector.broadcast %add3A_208 : i32 to vector<16xi32>
        %add3A_210 = arith.addi %add3A_156, %add3A_209 : vector<16xi32>
        %gather3A_211 = tpu.vector_load_idx %arg7[%add3A_210] : memref<8192xf32, #tpu.memory_space<vmem>>[vector<16xi32>], vector<16xf32>,
        %add3A_212 = arith.constant 224 : i32
        %add3A_213 = vector.broadcast %add3A_212 : i32 to vector<16xi32>
        %add3A_214 = arith.addi %add3A_156, %add3A_213 : vector<16xi32>
        %gather3A_215 = tpu.vector_load_idx %arg7[%add3A_214] : memref<8192xf32, #tpu.memory_space<vmem>>[vector<16xi32>], vector<16xf32>,
        %add3A_216 = arith.constant 240 : i32
        %add3A_217 = vector.broadcast %add3A_216 : i32 to vector<16xi32>
        %add3A_218 = arith.addi %add3A_156, %add3A_217 : vector<16xi32>
        %gather3A_219 = tpu.vector_load_idx %arg7[%add3A_218] : memref<8192xf32, #tpu.memory_space<vmem>>[vector<16xi32>], vector<16xf32>,
        %swap3A = arith.constant 0 : i32
        %swap3A_220 = arith.index_cast %swap3A : i32 to index
        %swap3A_221 = arith.index_cast %mul3A_146 : i32 to index
        %swap3A_222 = tpu.vector_load %arg10[%swap3A_220, %swap3A_221] {strides = array<i32>} : memref<16x2048xf32, #tpu.memory_space<vmem>>, vector<16xf32>,
        tpu.vector_store %arg10[%swap3A_220, %swap3A_221], %gather3A {strides = array<i32>} : memref<16x2048xf32, #tpu.memory_space<vmem>>, vector<16xf32>,
        %swap3A_223 = arith.constant 1 : i32
        %swap3A_224 = arith.index_cast %swap3A_223 : i32 to index
        %swap3A_225 = arith.index_cast %mul3A_146 : i32 to index
        %swap3A_226 = tpu.vector_load %arg10[%swap3A_224, %swap3A_225] {strides = array<i32>} : memref<16x2048xf32, #tpu.memory_space<vmem>>, vector<16xf32>,
        tpu.vector_store %arg10[%swap3A_224, %swap3A_225], %gather3A_163 {strides = array<i32>} : memref<16x2048xf32, #tpu.memory_space<vmem>>, vector<16xf32>,
        %swap3A_227 = arith.constant 2 : i32
        %swap3A_228 = arith.index_cast %swap3A_227 : i32 to index
        %swap3A_229 = arith.index_cast %mul3A_146 : i32 to index
        %swap3A_230 = tpu.vector_load %arg10[%swap3A_228, %swap3A_229] {strides = array<i32>} : memref<16x2048xf32, #tpu.memory_space<vmem>>, vector<16xf32>,
        tpu.vector_store %arg10[%swap3A_228, %swap3A_229], %gather3A_167 {strides = array<i32>} : memref<16x2048xf32, #tpu.memory_space<vmem>>, vector<16xf32>,
        %swap3A_231 = arith.constant 3 : i32
        %swap3A_232 = arith.index_cast %swap3A_231 : i32 to index
        %swap3A_233 = arith.index_cast %mul3A_146 : i32 to index
        %swap3A_234 = tpu.vector_load %arg10[%swap3A_232, %swap3A_233] {strides = array<i32>} : memref<16x2048xf32, #tpu.memory_space<vmem>>, vector<16xf32>,
        tpu.vector_store %arg10[%swap3A_232, %swap3A_233], %gather3A_171 {strides = array<i32>} : memref<16x2048xf32, #tpu.memory_space<vmem>>, vector<16xf32>,
        %swap3A_235 = arith.constant 4 : i32
        %swap3A_236 = arith.index_cast %swap3A_235 : i32 to index
        %swap3A_237 = arith.index_cast %mul3A_146 : i32 to index
        %swap3A_238 = tpu.vector_load %arg10[%swap3A_236, %swap3A_237] {strides = array<i32>} : memref<16x2048xf32, #tpu.memory_space<vmem>>, vector<16xf32>,
        tpu.vector_store %arg10[%swap3A_236, %swap3A_237], %gather3A_175 {strides = array<i32>} : memref<16x2048xf32, #tpu.memory_space<vmem>>, vector<16xf32>,
        %swap3A_239 = arith.constant 5 : i32
        %swap3A_240 = arith.index_cast %swap3A_239 : i32 to index
        %swap3A_241 = arith.index_cast %mul3A_146 : i32 to index
        %swap3A_242 = tpu.vector_load %arg10[%swap3A_240, %swap3A_241] {strides = array<i32>} : memref<16x2048xf32, #tpu.memory_space<vmem>>, vector<16xf32>,
        tpu.vector_store %arg10[%swap3A_240, %swap3A_241], %gather3A_179 {strides = array<i32>} : memref<16x2048xf32, #tpu.memory_space<vmem>>, vector<16xf32>,
        %swap3A_243 = arith.constant 6 : i32
        %swap3A_244 = arith.index_cast %swap3A_243 : i32 to index
        %swap3A_245 = arith.index_cast %mul3A_146 : i32 to index
        %swap3A_246 = tpu.vector_load %arg10[%swap3A_244, %swap3A_245] {strides = array<i32>} : memref<16x2048xf32, #tpu.memory_space<vmem>>, vector<16xf32>,
        tpu.vector_store %arg10[%swap3A_244, %swap3A_245], %gather3A_183 {strides = array<i32>} : memref<16x2048xf32, #tpu.memory_space<vmem>>, vector<16xf32>,
        %swap3A_247 = arith.constant 7 : i32
        %swap3A_248 = arith.index_cast %swap3A_247 : i32 to index
        %swap3A_249 = arith.index_cast %mul3A_146 : i32 to index
        %swap3A_250 = tpu.vector_load %arg10[%swap3A_248, %swap3A_249] {strides = array<i32>} : memref<16x2048xf32, #tpu.memory_space<vmem>>, vector<16xf32>,
        tpu.vector_store %arg10[%swap3A_248, %swap3A_249], %gather3A_187 {strides = array<i32>} : memref<16x2048xf32, #tpu.memory_space<vmem>>, vector<16xf32>,
        %swap3A_251 = arith.constant 8 : i32
        %swap3A_252 = arith.index_cast %swap3A_251 : i32 to index
        %swap3A_253 = arith.index_cast %mul3A_146 : i32 to index
        %swap3A_254 = tpu.vector_load %arg10[%swap3A_252, %swap3A_253] {strides = array<i32>} : memref<16x2048xf32, #tpu.memory_space<vmem>>, vector<16xf32>,
        tpu.vector_store %arg10[%swap3A_252, %swap3A_253], %gather3A_191 {strides = array<i32>} : memref<16x2048xf32, #tpu.memory_space<vmem>>, vector<16xf32>,
        %swap3A_255 = arith.constant 9 : i32
        %swap3A_256 = arith.index_cast %swap3A_255 : i32 to index
        %swap3A_257 = arith.index_cast %mul3A_146 : i32 to index
        %swap3A_258 = tpu.vector_load %arg10[%swap3A_256, %swap3A_257] {strides = array<i32>} : memref<16x2048xf32, #tpu.memory_space<vmem>>, vector<16xf32>,
        tpu.vector_store %arg10[%swap3A_256, %swap3A_257], %gather3A_195 {strides = array<i32>} : memref<16x2048xf32, #tpu.memory_space<vmem>>, vector<16xf32>,
        %swap3A_259 = arith.constant 10 : i32
        %swap3A_260 = arith.index_cast %swap3A_259 : i32 to index
        %swap3A_261 = arith.index_cast %mul3A_146 : i32 to index
        %swap3A_262 = tpu.vector_load %arg10[%swap3A_260, %swap3A_261] {strides = array<i32>} : memref<16x2048xf32, #tpu.memory_space<vmem>>, vector<16xf32>,
        tpu.vector_store %arg10[%swap3A_260, %swap3A_261], %gather3A_199 {strides = array<i32>} : memref<16x2048xf32, #tpu.memory_space<vmem>>, vector<16xf32>,
        %swap3A_263 = arith.constant 11 : i32
        %swap3A_264 = arith.index_cast %swap3A_263 : i32 to index
        %swap3A_265 = arith.index_cast %mul3A_146 : i32 to index
        %swap3A_266 = tpu.vector_load %arg10[%swap3A_264, %swap3A_265] {strides = array<i32>} : memref<16x2048xf32, #tpu.memory_space<vmem>>, vector<16xf32>,
        tpu.vector_store %arg10[%swap3A_264, %swap3A_265], %gather3A_203 {strides = array<i32>} : memref<16x2048xf32, #tpu.memory_space<vmem>>, vector<16xf32>,
        %swap3A_267 = arith.constant 12 : i32
        %swap3A_268 = arith.index_cast %swap3A_267 : i32 to index
        %swap3A_269 = arith.index_cast %mul3A_146 : i32 to index
        %swap3A_270 = tpu.vector_load %arg10[%swap3A_268, %swap3A_269] {strides = array<i32>} : memref<16x2048xf32, #tpu.memory_space<vmem>>, vector<16xf32>,
        tpu.vector_store %arg10[%swap3A_268, %swap3A_269], %gather3A_207 {strides = array<i32>} : memref<16x2048xf32, #tpu.memory_space<vmem>>, vector<16xf32>,
        %swap3A_271 = arith.constant 13 : i32
        %swap3A_272 = arith.index_cast %swap3A_271 : i32 to index
        %swap3A_273 = arith.index_cast %mul3A_146 : i32 to index
        %swap3A_274 = tpu.vector_load %arg10[%swap3A_272, %swap3A_273] {strides = array<i32>} : memref<16x2048xf32, #tpu.memory_space<vmem>>, vector<16xf32>,
        tpu.vector_store %arg10[%swap3A_272, %swap3A_273], %gather3A_211 {strides = array<i32>} : memref<16x2048xf32, #tpu.memory_space<vmem>>, vector<16xf32>,
        %swap3A_275 = arith.constant 14 : i32
        %swap3A_276 = arith.index_cast %swap3A_275 : i32 to index
        %swap3A_277 = arith.index_cast %mul3A_146 : i32 to index
        %swap3A_278 = tpu.vector_load %arg10[%swap3A_276, %swap3A_277] {strides = array<i32>} : memref<16x2048xf32, #tpu.memory_space<vmem>>, vector<16xf32>,
        tpu.vector_store %arg10[%swap3A_276, %swap3A_277], %gather3A_215 {strides = array<i32>} : memref<16x2048xf32, #tpu.memory_space<vmem>>, vector<16xf32>,
        %swap3A_279 = arith.constant 15 : i32
        %swap3A_280 = arith.index_cast %swap3A_279 : i32 to index
        %swap3A_281 = arith.index_cast %mul3A_146 : i32 to index
        %swap3A_282 = tpu.vector_load %arg10[%swap3A_280, %swap3A_281] {strides = array<i32>} : memref<16x2048xf32, #tpu.memory_space<vmem>>, vector<16xf32>,
        tpu.vector_store %arg10[%swap3A_280, %swap3A_281], %gather3A_219 {strides = array<i32>} : memref<16x2048xf32, #tpu.memory_space<vmem>>, vector<16xf32>,
        %scan3A_283 = arith.constant 1 : i32
        %scan3A_284 = arith.addi %scan3A_144, %scan3A_283 : i32
        %mul3A_285 = arith.constant 16 : i32
        %mul3A_286 = arith.muli %scan3A_284, %mul3A_285 : i32
        %add3A_287 = arith.addi %mul3A_47, %mul3A_286 : i32
        %get3A_288 = arith.index_cast %add3A_287 : i32 to index
        %get3A_289 = tpu.vector_load %arg6[%get3A_288] {strides = array<i32>} : memref<4096xi32, #tpu.memory_space<vmem>>, vector<16xi32>,
        %mul3A_290 = arith.constant 1024 : i32
        %mul3A_291 = vector.broadcast %mul3A_290 : i32 to vector<16xi32>
        %mul3A_292 = arith.muli %get3A_289, %mul3A_291 : vector<16xi32>
        %add3A_293 = arith.addi %mul3A_292, %get3A_1 : vector<16xi32>
        %add3A_294 = arith.constant 768 : i32
        %add3A_295 = vector.broadcast %add3A_294 : i32 to vector<16xi32>
        %add3A_296 = arith.addi %add3A_293, %add3A_295 : vector<16xi32>
        %add3A_297 = arith.constant 0 : i32
        %add3A_298 = vector.broadcast %add3A_297 : i32 to vector<16xi32>
        %add3A_299 = arith.addi %add3A_296, %add3A_298 : vector<16xi32>
        %gather3A_300 = tpu.vector_load_idx %arg7[%add3A_299] : memref<8192xf32, #tpu.memory_space<vmem>>[vector<16xi32>], vector<16xf32>,
        %add3A_301 = arith.constant 16 : i32
        %add3A_302 = vector.broadcast %add3A_301 : i32 to vector<16xi32>
        %add3A_303 = arith.addi %add3A_296, %add3A_302 : vector<16xi32>
        %gather3A_304 = tpu.vector_load_idx %arg7[%add3A_303] : memref<8192xf32, #tpu.memory_space<vmem>>[vector<16xi32>], vector<16xf32>,
        %add3A_305 = arith.constant 32 : i32
        %add3A_306 = vector.broadcast %add3A_305 : i32 to vector<16xi32>
        %add3A_307 = arith.addi %add3A_296, %add3A_306 : vector<16xi32>
        %gather3A_308 = tpu.vector_load_idx %arg7[%add3A_307] : memref<8192xf32, #tpu.memory_space<vmem>>[vector<16xi32>], vector<16xf32>,
        %add3A_309 = arith.constant 48 : i32
        %add3A_310 = vector.broadcast %add3A_309 : i32 to vector<16xi32>
        %add3A_311 = arith.addi %add3A_296, %add3A_310 : vector<16xi32>
        %gather3A_312 = tpu.vector_load_idx %arg7[%add3A_311] : memref<8192xf32, #tpu.memory_space<vmem>>[vector<16xi32>], vector<16xf32>,
        %add3A_313 = arith.constant 64 : i32
        %add3A_314 = vector.broadcast %add3A_313 : i32 to vector<16xi32>
        %add3A_315 = arith.addi %add3A_296, %add3A_314 : vector<16xi32>
        %gather3A_316 = tpu.vector_load_idx %arg7[%add3A_315] : memref<8192xf32, #tpu.memory_space<vmem>>[vector<16xi32>], vector<16xf32>,
        %add3A_317 = arith.constant 80 : i32
        %add3A_318 = vector.broadcast %add3A_317 : i32 to vector<16xi32>
        %add3A_319 = arith.addi %add3A_296, %add3A_318 : vector<16xi32>
        %gather3A_320 = tpu.vector_load_idx %arg7[%add3A_319] : memref<8192xf32, #tpu.memory_space<vmem>>[vector<16xi32>], vector<16xf32>,
        %add3A_321 = arith.constant 96 : i32
        %add3A_322 = vector.broadcast %add3A_321 : i32 to vector<16xi32>
        %add3A_323 = arith.addi %add3A_296, %add3A_322 : vector<16xi32>
        %gather3A_324 = tpu.vector_load_idx %arg7[%add3A_323] : memref<8192xf32, #tpu.memory_space<vmem>>[vector<16xi32>], vector<16xf32>,
        %add3A_325 = arith.constant 112 : i32
        %add3A_326 = vector.broadcast %add3A_325 : i32 to vector<16xi32>
        %add3A_327 = arith.addi %add3A_296, %add3A_326 : vector<16xi32>
        %gather3A_328 = tpu.vector_load_idx %arg7[%add3A_327] : memref<8192xf32, #tpu.memory_space<vmem>>[vector<16xi32>], vector<16xf32>,
        %add3A_329 = arith.constant 128 : i32
        %add3A_330 = vector.broadcast %add3A_329 : i32 to vector<16xi32>
        %add3A_331 = arith.addi %add3A_296, %add3A_330 : vector<16xi32>
        %gather3A_332 = tpu.vector_load_idx %arg7[%add3A_331] : memref<8192xf32, #tpu.memory_space<vmem>>[vector<16xi32>], vector<16xf32>,
        %add3A_333 = arith.constant 144 : i32
        %add3A_334 = vector.broadcast %add3A_333 : i32 to vector<16xi32>
        %add3A_335 = arith.addi %add3A_296, %add3A_334 : vector<16xi32>
        %gather3A_336 = tpu.vector_load_idx %arg7[%add3A_335] : memref<8192xf32, #tpu.memory_space<vmem>>[vector<16xi32>], vector<16xf32>,
        %add3A_337 = arith.constant 160 : i32
        %add3A_338 = vector.broadcast %add3A_337 : i32 to vector<16xi32>
        %add3A_339 = arith.addi %add3A_296, %add3A_338 : vector<16xi32>
        %gather3A_340 = tpu.vector_load_idx %arg7[%add3A_339] : memref<8192xf32, #tpu.memory_space<vmem>>[vector<16xi32>], vector<16xf32>,
        %add3A_341 = arith.constant 176 : i32
        %add3A_342 = vector.broadcast %add3A_341 : i32 to vector<16xi32>
        %add3A_343 = arith.addi %add3A_296, %add3A_342 : vector<16xi32>
        %gather3A_344 = tpu.vector_load_idx %arg7[%add3A_343] : memref<8192xf32, #tpu.memory_space<vmem>>[vector<16xi32>], vector<16xf32>,
        %add3A_345 = arith.constant 192 : i32
        %add3A_346 = vector.broadcast %add3A_345 : i32 to vector<16xi32>
        %add3A_347 = arith.addi %add3A_296, %add3A_346 : vector<16xi32>
        %gather3A_348 = tpu.vector_load_idx %arg7[%add3A_347] : memref<8192xf32, #tpu.memory_space<vmem>>[vector<16xi32>], vector<16xf32>,
        %add3A_349 = arith.constant 208 : i32
        %add3A_350 = vector.broadcast %add3A_349 : i32 to vector<16xi32>
        %add3A_351 = arith.addi %add3A_296, %add3A_350 : vector<16xi32>
        %gather3A_352 = tpu.vector_load_idx %arg7[%add3A_351] : memref<8192xf32, #tpu.memory_space<vmem>>[vector<16xi32>], vector<16xf32>,
        %add3A_353 = arith.constant 224 : i32
        %add3A_354 = vector.broadcast %add3A_353 : i32 to vector<16xi32>
        %add3A_355 = arith.addi %add3A_296, %add3A_354 : vector<16xi32>
        %gather3A_356 = tpu.vector_load_idx %arg7[%add3A_355] : memref<8192xf32, #tpu.memory_space<vmem>>[vector<16xi32>], vector<16xf32>,
        %add3A_357 = arith.constant 240 : i32
        %add3A_358 = vector.broadcast %add3A_357 : i32 to vector<16xi32>
        %add3A_359 = arith.addi %add3A_296, %add3A_358 : vector<16xi32>
        %gather3A_360 = tpu.vector_load_idx %arg7[%add3A_359] : memref<8192xf32, #tpu.memory_space<vmem>>[vector<16xi32>], vector<16xf32>,
        %swap3A_361 = arith.constant 0 : i32
        %swap3A_362 = arith.index_cast %swap3A_361 : i32 to index
        %swap3A_363 = arith.index_cast %mul3A_286 : i32 to index
        %swap3A_364 = tpu.vector_load %arg10[%swap3A_362, %swap3A_363] {strides = array<i32>} : memref<16x2048xf32, #tpu.memory_space<vmem>>, vector<16xf32>,
        tpu.vector_store %arg10[%swap3A_362, %swap3A_363], %gather3A_300 {strides = array<i32>} : memref<16x2048xf32, #tpu.memory_space<vmem>>, vector<16xf32>,
        %swap3A_365 = arith.constant 1 : i32
        %swap3A_366 = arith.index_cast %swap3A_365 : i32 to index
        %swap3A_367 = arith.index_cast %mul3A_286 : i32 to index
        %swap3A_368 = tpu.vector_load %arg10[%swap3A_366, %swap3A_367] {strides = array<i32>} : memref<16x2048xf32, #tpu.memory_space<vmem>>, vector<16xf32>,
        tpu.vector_store %arg10[%swap3A_366, %swap3A_367], %gather3A_304 {strides = array<i32>} : memref<16x2048xf32, #tpu.memory_space<vmem>>, vector<16xf32>,
        %swap3A_369 = arith.constant 2 : i32
        %swap3A_370 = arith.index_cast %swap3A_369 : i32 to index
        %swap3A_371 = arith.index_cast %mul3A_286 : i32 to index
        %swap3A_372 = tpu.vector_load %arg10[%swap3A_370, %swap3A_371] {strides = array<i32>} : memref<16x2048xf32, #tpu.memory_space<vmem>>, vector<16xf32>,
        tpu.vector_store %arg10[%swap3A_370, %swap3A_371], %gather3A_308 {strides = array<i32>} : memref<16x2048xf32, #tpu.memory_space<vmem>>, vector<16xf32>,
        %swap3A_373 = arith.constant 3 : i32
        %swap3A_374 = arith.index_cast %swap3A_373 : i32 to index
        %swap3A_375 = arith.index_cast %mul3A_286 : i32 to index
        %swap3A_376 = tpu.vector_load %arg10[%swap3A_374, %swap3A_375] {strides = array<i32>} : memref<16x2048xf32, #tpu.memory_space<vmem>>, vector<16xf32>,
        tpu.vector_store %arg10[%swap3A_374, %swap3A_375], %gather3A_312 {strides = array<i32>} : memref<16x2048xf32, #tpu.memory_space<vmem>>, vector<16xf32>,
        %swap3A_377 = arith.constant 4 : i32
        %swap3A_378 = arith.index_cast %swap3A_377 : i32 to index
        %swap3A_379 = arith.index_cast %mul3A_286 : i32 to index
        %swap3A_380 = tpu.vector_load %arg10[%swap3A_378, %swap3A_379] {strides = array<i32>} : memref<16x2048xf32, #tpu.memory_space<vmem>>, vector<16xf32>,
        tpu.vector_store %arg10[%swap3A_378, %swap3A_379], %gather3A_316 {strides = array<i32>} : memref<16x2048xf32, #tpu.memory_space<vmem>>, vector<16xf32>,
        %swap3A_381 = arith.constant 5 : i32
        %swap3A_382 = arith.index_cast %swap3A_381 : i32 to index
        %swap3A_383 = arith.index_cast %mul3A_286 : i32 to index
        %swap3A_384 = tpu.vector_load %arg10[%swap3A_382, %swap3A_383] {strides = array<i32>} : memref<16x2048xf32, #tpu.memory_space<vmem>>, vector<16xf32>,
        tpu.vector_store %arg10[%swap3A_382, %swap3A_383], %gather3A_320 {strides = array<i32>} : memref<16x2048xf32, #tpu.memory_space<vmem>>, vector<16xf32>,
        %swap3A_385 = arith.constant 6 : i32
        %swap3A_386 = arith.index_cast %swap3A_385 : i32 to index
        %swap3A_387 = arith.index_cast %mul3A_286 : i32 to index
        %swap3A_388 = tpu.vector_load %arg10[%swap3A_386, %swap3A_387] {strides = array<i32>} : memref<16x2048xf32, #tpu.memory_space<vmem>>, vector<16xf32>,
        tpu.vector_store %arg10[%swap3A_386, %swap3A_387], %gather3A_324 {strides = array<i32>} : memref<16x2048xf32, #tpu.memory_space<vmem>>, vector<16xf32>,
        %swap3A_389 = arith.constant 7 : i32
        %swap3A_390 = arith.index_cast %swap3A_389 : i32 to index
        %swap3A_391 = arith.index_cast %mul3A_286 : i32 to index
        %swap3A_392 = tpu.vector_load %arg10[%swap3A_390, %swap3A_391] {strides = array<i32>} : memref<16x2048xf32, #tpu.memory_space<vmem>>, vector<16xf32>,
        tpu.vector_store %arg10[%swap3A_390, %swap3A_391], %gather3A_328 {strides = array<i32>} : memref<16x2048xf32, #tpu.memory_space<vmem>>, vector<16xf32>,
        %swap3A_393 = arith.constant 8 : i32
        %swap3A_394 = arith.index_cast %swap3A_393 : i32 to index
        %swap3A_395 = arith.index_cast %mul3A_286 : i32 to index
        %swap3A_396 = tpu.vector_load %arg10[%swap3A_394, %swap3A_395] {strides = array<i32>} : memref<16x2048xf32, #tpu.memory_space<vmem>>, vector<16xf32>,
        tpu.vector_store %arg10[%swap3A_394, %swap3A_395], %gather3A_332 {strides = array<i32>} : memref<16x2048xf32, #tpu.memory_space<vmem>>, vector<16xf32>,
        %swap3A_397 = arith.constant 9 : i32
        %swap3A_398 = arith.index_cast %swap3A_397 : i32 to index
        %swap3A_399 = arith.index_cast %mul3A_286 : i32 to index
        %swap3A_400 = tpu.vector_load %arg10[%swap3A_398, %swap3A_399] {strides = array<i32>} : memref<16x2048xf32, #tpu.memory_space<vmem>>, vector<16xf32>,
        tpu.vector_store %arg10[%swap3A_398, %swap3A_399], %gather3A_336 {strides = array<i32>} : memref<16x2048xf32, #tpu.memory_space<vmem>>, vector<16xf32>,
        %swap3A_401 = arith.constant 10 : i32
        %swap3A_402 = arith.index_cast %swap3A_401 : i32 to index
        %swap3A_403 = arith.index_cast %mul3A_286 : i32 to index
        %swap3A_404 = tpu.vector_load %arg10[%swap3A_402, %swap3A_403] {strides = array<i32>} : memref<16x2048xf32, #tpu.memory_space<vmem>>, vector<16xf32>,
        tpu.vector_store %arg10[%swap3A_402, %swap3A_403], %gather3A_340 {strides = array<i32>} : memref<16x2048xf32, #tpu.memory_space<vmem>>, vector<16xf32>,
        %swap3A_405 = arith.constant 11 : i32
        %swap3A_406 = arith.index_cast %swap3A_405 : i32 to index
        %swap3A_407 = arith.index_cast %mul3A_286 : i32 to index
        %swap3A_408 = tpu.vector_load %arg10[%swap3A_406, %swap3A_407] {strides = array<i32>} : memref<16x2048xf32, #tpu.memory_space<vmem>>, vector<16xf32>,
        tpu.vector_store %arg10[%swap3A_406, %swap3A_407], %gather3A_344 {strides = array<i32>} : memref<16x2048xf32, #tpu.memory_space<vmem>>, vector<16xf32>,
        %swap3A_409 = arith.constant 12 : i32
        %swap3A_410 = arith.index_cast %swap3A_409 : i32 to index
        %swap3A_411 = arith.index_cast %mul3A_286 : i32 to index
        %swap3A_412 = tpu.vector_load %arg10[%swap3A_410, %swap3A_411] {strides = array<i32>} : memref<16x2048xf32, #tpu.memory_space<vmem>>, vector<16xf32>,
        tpu.vector_store %arg10[%swap3A_410, %swap3A_411], %gather3A_348 {strides = array<i32>} : memref<16x2048xf32, #tpu.memory_space<vmem>>, vector<16xf32>,
        %swap3A_413 = arith.constant 13 : i32
        %swap3A_414 = arith.index_cast %swap3A_413 : i32 to index
        %swap3A_415 = arith.index_cast %mul3A_286 : i32 to index
        %swap3A_416 = tpu.vector_load %arg10[%swap3A_414, %swap3A_415] {strides = array<i32>} : memref<16x2048xf32, #tpu.memory_space<vmem>>, vector<16xf32>,
        tpu.vector_store %arg10[%swap3A_414, %swap3A_415], %gather3A_352 {strides = array<i32>} : memref<16x2048xf32, #tpu.memory_space<vmem>>, vector<16xf32>,
        %swap3A_417 = arith.constant 14 : i32
        %swap3A_418 = arith.index_cast %swap3A_417 : i32 to index
        %swap3A_419 = arith.index_cast %mul3A_286 : i32 to index
        %swap3A_420 = tpu.vector_load %arg10[%swap3A_418, %swap3A_419] {strides = array<i32>} : memref<16x2048xf32, #tpu.memory_space<vmem>>, vector<16xf32>,
        tpu.vector_store %arg10[%swap3A_418, %swap3A_419], %gather3A_356 {strides = array<i32>} : memref<16x2048xf32, #tpu.memory_space<vmem>>, vector<16xf32>,
        %swap3A_421 = arith.constant 15 : i32
        %swap3A_422 = arith.index_cast %swap3A_421 : i32 to index
        %swap3A_423 = arith.index_cast %mul3A_286 : i32 to index
        %swap3A_424 = tpu.vector_load %arg10[%swap3A_422, %swap3A_423] {strides = array<i32>} : memref<16x2048xf32, #tpu.memory_space<vmem>>, vector<16xf32>,
        tpu.vector_store %arg10[%swap3A_422, %swap3A_423], %gather3A_360 {strides = array<i32>} : memref<16x2048xf32, #tpu.memory_space<vmem>>, vector<16xf32>,
      }
      %scan3A_135 = arith.constant 128 : i32
      %dma_start3A_136 = arith.constant 48 : i32
      %dma_start3A_137 = arith.constant 0 : i32
      %dma_start3A_138 = tpu.memref_slice %arg5[%add3A_36, %dma_start3A_136, %dma_start3A_137] : memref<1024x64x2048xf32, #tpu.memory_space<hbm>> -> memref<1x16x2048xf32, #tpu.memory_space<hbm>>
      %dma_start3A_139 = tpu.memref_squeeze %dma_start3A_138 : memref<1x16x2048xf32, #tpu.memory_space<hbm>> -> memref<16x2048xf32, #tpu.memory_space<hbm>>
      %dma_start3A_140 = arith.constant 48 : i32
      %dma_start3A_141 = arith.constant 0 : i32
      %dma_start3A_142 = tpu.memref_slice %arg5[%add3A_36, %dma_start3A_140, %dma_start3A_141] : memref<1024x64x2048xf32, #tpu.memory_space<hbm>> -> memref<1x16x2048xf32, #tpu.memory_space<hbm>>
      %dma_start3A_143 = tpu.memref_squeeze %dma_start3A_142 : memref<1x16x2048xf32, #tpu.memory_space<hbm>> -> memref<16x2048xf32, #tpu.memory_space<hbm>>
      tpu.enqueue_dma source(%arg10 : memref<16x2048xf32, #tpu.memory_space<vmem>>) target(%dma_start3A_143 : memref<16x2048xf32, #tpu.memory_space<hbm>>) target_semaphore(%arg12 : memref<!tpu.dma_semaphore, #tpu.memory_space<semaphore_mem>>)
    }
    %scan3A_15 = arith.constant 32 : i32
    %dma_wait3A = arith.constant 0 : i32
    %dma_wait3A_16 = arith.constant 0 : i32
    %dma_wait3A_17 = arith.constant 0 : i32
    %dma_wait3A_18 = tpu.memref_slice %arg5[%dma_wait3A, %dma_wait3A_16, %dma_wait3A_17] : memref<1024x64x2048xf32, #tpu.memory_space<hbm>> -> memref<1x16x2048xf32, #tpu.memory_space<hbm>>
    %dma_wait3A_19 = tpu.memref_squeeze %dma_wait3A_18 : memref<1x16x2048xf32, #tpu.memory_space<hbm>> -> memref<16x2048xf32, #tpu.memory_space<hbm>>
    %dma_wait3A_20 = arith.constant 0 : i32
    %dma_wait3A_21 = arith.constant 0 : i32
    %dma_wait3A_22 = tpu.memref_slice %arg5[%dma_wait3A, %dma_wait3A_20, %dma_wait3A_21] : memref<1024x64x2048xf32, #tpu.memory_space<hbm>> -> memref<1x16x2048xf32, #tpu.memory_space<hbm>>
    %dma_wait3A_23 = tpu.memref_squeeze %dma_wait3A_22 : memref<1x16x2048xf32, #tpu.memory_space<hbm>> -> memref<16x2048xf32, #tpu.memory_space<hbm>>
    tpu.wait_dma2 semaphore(%arg11 : memref<!tpu.dma_semaphore, #tpu.memory_space<semaphore_mem>>) src(%arg9 : memref<16x2048xf32, #tpu.memory_space<vmem>>) dst(%dma_wait3A_23 : memref<16x2048xf32, #tpu.memory_space<hbm>>)
    %dma_wait3A_24 = arith.constant 0 : i32
    %dma_wait3A_25 = arith.constant 0 : i32
    %dma_wait3A_26 = arith.constant 0 : i32
    %dma_wait3A_27 = tpu.memref_slice %arg5[%dma_wait3A_24, %dma_wait3A_25, %dma_wait3A_26] : memref<1024x64x2048xf32, #tpu.memory_space<hbm>> -> memref<1x16x2048xf32, #tpu.memory_space<hbm>>
    %dma_wait3A_28 = tpu.memref_squeeze %dma_wait3A_27 : memref<1x16x2048xf32, #tpu.memory_space<hbm>> -> memref<16x2048xf32, #tpu.memory_space<hbm>>
    %dma_wait3A_29 = arith.constant 0 : i32
    %dma_wait3A_30 = arith.constant 0 : i32
    %dma_wait3A_31 = tpu.memref_slice %arg5[%dma_wait3A_24, %dma_wait3A_29, %dma_wait3A_30] : memref<1024x64x2048xf32, #tpu.memory_space<hbm>> -> memref<1x16x2048xf32, #tpu.memory_space<hbm>>
    %dma_wait3A_32 = tpu.memref_squeeze %dma_wait3A_31 : memref<1x16x2048xf32, #tpu.memory_space<hbm>> -> memref<16x2048xf32, #tpu.memory_space<hbm>>
    tpu.wait_dma2 semaphore(%arg12 : memref<!tpu.dma_semaphore, #tpu.memory_space<semaphore_mem>>) src(%arg10 : memref<16x2048xf32, #tpu.memory_space<vmem>>) dst(%dma_wait3A_32 : memref<16x2048xf32, #tpu.memory_space<hbm>>)
    return
  }
}

</mosaic_0001>

<sc_bundles>
// kernel: kernel.3.cloned.1.call-start
scs
__scs_entry_jumppad:
0x0: {  	(pc) =	sbr.rel $0x88, $3  }
0x1: {  	(tag) =	ssettag $0x0;
	lr =	simm.s32 $0x1  }
0x2: {  	[smem:$0x3F9F] =	sst lr;
	_ =	strace $0xD0000000  }
0x3: {  	_ = 	snop  }
0x4: {  	_ = 	snop  }
0x5: {  	_ = 	snop  }
0x6: {  	_ = 	snop  }
0x7: {  	_ = 	snop  }
__scs_overlays_trampoline_lowered:
0x8: {  	[smem:$0x3FAE] =	sst s0  }
0x9: {  	[smem:$0x3FAF] =	sst s1  }
0xa: {  	[smem:$0x3FB0] =	sst s2  }
0xb: {  	[smem:$0x3FB1] =	sst s3  }
0xc: {  	[smem:$0x3FB2] =	sst s4  }
0xd: {  	[smem:$0x3FB3] =	sst s5  }
0xe: {  	[smem:$0x3FB4] =	sst s6  }
0xf: {  	[smem:$0x3FB5] =	sst s7  }
0x10: {  	[smem:$0x3FB6] =	sst s8  }
0x11: {  	[smem:$0x3FB7] =	sst s9;
	s0 =	simm.s32 @!p0 $0x0  }
0x12: {  	s1 =	sld [smem:$0x3F9D];
	s0 =	simm.s32 @p0 $0x1  }
0x13: {  	[smem:$0x3FB8] =	sst s0;
	s0 =	simm.s32 @!p1 $0x0  }
0x14: {  	s2 =	sld [smem:$0x3F9C];
	s0 =	simm.s32 @p1 $0x1  }
0x15: {  	[smem:$0x3FB9] =	sst s0;
	s0 =	simm.s32 @!p2 $0x0  }
0x16: {  	s3 =	sld [smem:$0x3FDB];
	s0 =	simm.s32 @p2 $0x1  }
0x17: {  	s4 =	simm.s32 $0x1BF5;
	[smem:$0x3FBB] =	sst s0  }
0x18: {  	s0 =	sld [smem:$0x3F9E];
	_ =	swait.ge [sflag:s4], $0x0  }
0x19: {  	s7 =	sld [smem:$0x3F9F]  }
0x1a: {  	s8 =	sadd.s32 $0xFFFFE003, lr  }
0x1b: {  	s9 =	sadd.s32 $0xFFFFFEF7, lr;
	s5 =	simm.s32 $0xFFFFFFFF;
	p2 =	slt.u32 s8, $0xFFFFF086  }
0x1c: {  	p1 =	slt.u32 s9, $0xF7A;
	s5 =	simm.s32 @!p2 $0x0  }
0x1d: {  	s5 =	simm.s32 @p1 $0x1;
	p0 =	seq.s32 s7, s2  }
0x1e: {  	s7 =	smul.u32 @!p0 $0xF7A, s2;
	p2 =	seq.s32 @!p0 s5, $0x0  }
0x1f: {  	s9 =	smul.u32 $0xF7A, s1;
	s8 =	simm.s32 @!p0 $0x1BF5;
	p2 =	por !p2, p0  }
0x20: {  	[sflag:s8] =	ssyncset.s32 @!p0 $0xFFFFF086;
	s6 =	sadd.s32 @!p0 s3, s7;
	s7 =	simm.s32 @!p0 $0x108  }
0x21: {  	s3 =	sadd.s32 s3, s9;
	s6 =	sadd.s32 @!p0 $0x88, s6;
	s7 =	simm.s32 @p2 $0x1082  }
0x22: {  	[simem:s7], [sflag:s8] =	dma.local @!p0 [hbm:s6], $0xF7A  }
0x23: {  	s9 =	sor.u32 $0xD0000000, s2;
	s6 =	simm.s32 $0x108;
	_ =	swait.ge @!p0 [sflag:s8], $0x0  }
0x24: {  	s3 =	sadd.s32 $0x88, s3;
	s6 =	simm.s32 @!p1 $0x1082;
	[sflag:s4] =	ssyncset.s32 $0xFFFFF086  }
0x25: {  	[simem:s6], [sflag:s4] =	dma.local [hbm:s3], $0xF7A  }
0x26: {  	[smem:$0x3F9F] =	sst s1;
	(tag) =	ssettag s2;
	_ =	strace s9  }
0x27: {  	s1 =	sld [smem:$0x3FAF]  }
0x28: {  	s2 =	sld [smem:$0x3FB0]  }
0x29: {  	s4 =	sld [smem:$0x3FB2]  }
0x2a: {  	p0 =	seq.s32 s5, $0x0;
	s5 =	sld [smem:$0x3FB3]  }
0x2b: {  	s6 =	sld [smem:$0x3FB4]  }
0x2c: {  	s7 =	sld [smem:$0x3FB5]  }
0x2d: {  	s3 =	simm.s32 $0x108;
	s8 =	sld [smem:$0x3FB6]  }
0x2e: {  	s3 =	simm.s32 @!p0 $0x1082;
	s9 =	sld [smem:$0x3FB7]  }
0x2f: {  	lr =	sadd.s32 s0, s3;
	s0 =	sld [smem:$0x3FAE]  }
0x30: {  	s3 =	sld [smem:$0x3FB1]  }
0x31: {  	[smem:$0x3FBA] =	sst s10  }
0x32: {  	s10 =	sld [smem:$0x3FB8];
	_ =	sdelay $0x3  }
0x33: {  	p0 =	seq.s32 s10, $0x1;
	s10 =	sld [smem:$0x3FBA];
	_ =	sdelay $0x3  }
0x34: {  	[smem:$0x3FBA] =	sst s10  }
0x35: {  	s10 =	sld [smem:$0x3FB9];
	_ =	sdelay $0x3  }
0x36: {  	p1 =	seq.s32 s10, $0x1;
	s10 =	sld [smem:$0x3FBA];
	_ =	sdelay $0x3  }
0x37: {  	[smem:$0x3FBA] =	sst s10  }
0x38: {  	s10 =	sld [smem:$0x3FBB]  }
0x39: {  	_ = 	snop;
	(pc) =	sbr.ind lr, $3  }
0x3a: {  	_ = 	snop  }
0x3b: {  	_ = 	snop  }
0x3c: {  	p2 =	seq.s32 s10, $0x1;
	s10 =	sld [smem:$0x3FBA]  }
0x3d: {  	_ =	shalt  }
0x3e: {  	_ =	shalt  }
0x3f: {  	_ =	shalt  }
0x40: {  	_ =	shalt  }
0x41: {  	_ =	shalt  }
0x42: {  	_ =	shalt  }
0x43: {  	_ =	shalt  }
0x44: {  	_ =	shalt  }
0x45: {  	_ =	shalt  }
0x46: {  	_ =	shalt  }
0x47: {  	_ =	shalt  }
0x48: {  	_ =	shalt  }
0x49: {  	_ =	shalt  }
0x4a: {  	_ =	shalt  }
0x4b: {  	_ =	shalt  }
0x4c: {  	_ =	shalt  }
0x4d: {  	_ =	shalt  }
0x4e: {  	_ =	shalt  }
0x4f: {  	_ =	shalt  }
0x50: {  	_ =	shalt  }
0x51: {  	_ =	shalt  }
0x52: {  	_ =	shalt  }
0x53: {  	_ =	shalt  }
0x54: {  	_ =	shalt  }
0x55: {  	_ =	shalt  }
0x56: {  	_ =	shalt  }
0x57: {  	_ =	shalt  }
0x58: {  	_ =	shalt  }
0x59: {  	_ =	shalt  }
0x5a: {  	_ =	shalt  }
0x5b: {  	_ =	shalt  }
0x5c: {  	_ =	shalt  }
0x5d: {  	_ =	shalt  }
0x5e: {  	_ =	shalt  }
0x5f: {  	_ =	shalt  }
0x60: {  	_ =	shalt  }
0x61: {  	_ =	shalt  }
0x62: {  	_ =	shalt  }
0x63: {  	_ =	shalt  }
0x64: {  	_ =	shalt  }
0x65: {  	_ =	shalt  }
0x66: {  	_ =	shalt  }
0x67: {  	_ =	shalt  }
0x68: {  	_ =	shalt  }
0x69: {  	_ =	shalt  }
0x6a: {  	_ =	shalt  }
0x6b: {  	_ =	shalt  }
0x6c: {  	_ =	shalt  }
0x6d: {  	_ =	shalt  }
0x6e: {  	_ =	shalt  }
0x6f: {  	_ =	shalt  }
0x70: {  	_ =	shalt  }
0x71: {  	_ =	shalt  }
0x72: {  	_ =	shalt  }
0x73: {  	_ =	shalt  }
0x74: {  	_ =	shalt  }
0x75: {  	_ =	shalt  }
0x76: {  	_ =	shalt  }
0x77: {  	_ =	shalt  }
0x78: {  	_ =	shalt  }
0x79: {  	_ =	shalt  }
0x7a: {  	_ =	shalt  }
0x7b: {  	_ =	shalt  }
0x7c: {  	_ =	shalt  }
0x7d: {  	_ =	shalt  }
0x7e: {  	_ =	shalt  }
0x7f: {  	_ =	shalt  }
0x80: {  	_ =	shalt  }
0x81: {  	_ =	shalt  }
0x82: {  	_ =	shalt  }
0x83: {  	_ =	shalt  }
0x84: {  	_ =	shalt  }
0x85: {  	_ =	shalt  }
0x86: {  	_ =	shalt  }
0x87: {  	_ =	shalt  }
.Lfunc_end0:
.L_simem_size_0:
called_computation_lowered:
.L_overlay_start_0:
0x88: {  	s2 =	sld [smem:$0x3FD9]  }
0x89: {  	s3 =	sld [smem:$0x3FFE];
	_ =	sdelay $0x1  }
0x8a: {  	s1 =	srdreg.scid  }
0x8b: {  	s0 =	sand.u32 $0x1, s1  }
0x8c: {  	s17 =	sshll.u32 s0, $0xA;
	s2 =	sadd.s32 s3, s2  }
0x8d: {  	s2 =	sadd.s32 s2, s17  }
0x8e: {  	[smem:$0x3FC6] =	sst s2  }
0x8f: {  	_ = 	snop  }
0x90: {  	s2 =	sld [smem:$0x3FD0];
	(tm) =	ssettm $0x1  }
0x91: {  	s18 =	sld [smem:$0x3FFB];
	_ =	sdelay $0x3  }
0x92: {  	_ =	strace s18  }
0x93: {  	s3 =	sld [smem:$0x3FFC];
	_ =	sdelay $0x3  }
0x94: {  	_ =	strace s3  }
0x95: {  	s3 =	sld [smem:$0x3FFD];
	_ =	sdelay $0x3  }
0x96: {  	_ =	strace s3  }
0x97: {  	_ =	strace $0x8FFFFFFF  }
0x98: {  	s19 =	sld [smem:$0x3FDB];
	_ =	sdelay $0x1  }
0x99: {  	s4 =	simm.s32 $_scs_section_size  }
0x9a: {  	s5 =	simm.s32 $_size__tile_overlayer_lowered;
	s6 =	simm.s32 $_tile_overlayer_lowered  }
0x9b: {  	s22 =	simm.s32 $0x1BFF;
	s21 =	sshll.u32 s6, $0x1;
	s3 =	sadd.s32 s4, s19  }
0x9c: {  	s7 =	simm.s32 $0x0;
	s20 =	sshll.u32 s5, $0x1;
	s5 =	sadd.s32 s21, s3  }
0x9d: {  	[timem:s7], [sflag:s22] =	dma.local [hbm:s5], s20  }
0x9e: {  	_ =	swait.ge [sflag:s22], s20  }
0x9f: {  	s4 =	ssub.s32 $0x0, s20;
	[sflag:s22] =	ssyncset.done $0x0  }
0xa0: {  	[sflag:s22] =	ssyncadd.s32 s4;
	_ =	sdelay $0x1  }
0xa1: {  	s23 =	simm.s32 $0x1B8B  }
0xa2: {  	_ =	swait.ge [sflag:s23], $0x1  }
0xa3: {  	[sflag:s23] =	ssyncset.done $0x0  }
0xa4: {  	s25 =	simm.s32 $0x1B8E;
	s24 =	sld [smem:$0x3FFE];
	[sflag:s23] =	ssyncadd.s32 $0xFFFFFFFF  }
0xa5: {  	s26 =	simm.s32 $execute0_lowered;
	[smem:$0x3FD2] =	sst s25  }
0xa6: {  	s5 =	sshll.u32 s26, $0x1;
	_ =	strace $0x80000046;
	[dreg:$0x1] =	wrdreg $0xFFFFFFFF  }
0xa7: {  	s28 =	simm.s32 $_size_execute0_lowered;
	s3 =	sadd.s32 s3, s5;
	[dreg:$0x0] =	wrdreg $0x0  }
0xa8: {  	s5 =	sshll.u32 s28, $0x1;
	[dreg:$0x2] =	wrdreg s3  }
0xa9: {  	[dreg:$0x3] =	wrdreg s5  }
0xaa: {  	[dreg:$0x4] =	wrdreg $0xC0  }
0xab: {  	_ =	task [dreg:s7], $0x5FFFF  }
0xac: {  	[dreg:$0x1] =	wrdreg $0xFFFFFFFF  }
0xad: {  	[dreg:$0x0] =	wrdreg $0x60  }
0xae: {  	[dreg:$0x2] =	wrdreg s24  }
0xaf: {  	[dreg:$0x3] =	wrdreg s2  }
0xb0: {  	[dreg:$0x4] =	wrdreg $0x9  }
0xb1: {  	_ =	task.clear_ibuf [dreg:s7], $0x5FFFF;
	_ =	strace $0x90000046  }
0xb2: {  	s29 =	simm.s32 $0x9;
	_ =	strace $0x80000048  }
0xb3: {  	_ =	swait.ge [sflag:s29], $0x1  }
0xb4: {  	[sflag:s29] =	ssyncadd.s32 $0xFFFFFFFF  }
0xb5: {  	_ =	strace $0x90000048  }
0xb6: {  	_ =	sfence  }
0xb7: {  	s30 =	sld [smem:$0x0];
	_ =	sdelay $0x2  }
0xb8: {  	s31 =	sshll.u32 s1, $0xD;
	s1 =	sshrl.u32 s1, $0x2  }
0xb9: {  	s3 =	sand.u32 $0x4000, s31;
	s1 =	sadd.s32 s1, s30  }
0xba: {  	s0 =	sor.u32 s3, s0;
	s1 =	sshll.u32 s1, $0x11  }
0xbb: {  	s0 =	sor.u32 s1, s0  }
0xbc: {  	s0 =	sadd.s32 $0x8F2B, s0  }
0xbd: {  	[sflag:s0] =	ssyncadd.remote.s32 $0x1  }
0xbe: {  	_ =	sfence.sel $0xFFFF  }
0xbf: {  	[dreg:$0x0] =	wrdreg $0xFFFFFFFF;
	(pc) =	sbr.abs _section_cstart, $3  }
0xc0: {  	[dreg:$0x1] =	wrdreg $0xFFFFFFFF  }
0xc1: {  	_ =	task.clear_ibuf [dreg:s7], $0x2FFFF;
	_ =	strace $0x9FFFFFFF  }
0xc2: {  	(tm) =	ssettm $0x7FFFFFFF  }
0xc3: {  	_ =	shalt  }
tec
execute0_lowered:
.L_overlay_start_1:
0x0: {  	(tag) =	ssettag $0x1  }
0x1: {  	s0 =	rddreg [dreg:$0x0]  }
0x2: {  	s6 =	rddreg [dreg:$0x1]  }
0x3: {  	s1 =	srdreg.scid;
	s2 =	stileid.u32  }
0x4: {  	s3 =	simm.s32 $0x0;
	s15 =	simm.s32 $0x1000;
	s16 =	simm.s32 $0x3  }
0x5: {  	s17 =	simm.s32 $0x3080;
	s18 =	simm.s32 $0xB080;
	s19 =	simm.s32 $0x1  }
0x6: {  	s20 =	simm.s32 $0x2;
	s1 =	sand.u32 $0x1, s1;
	s2 =	sshll.u32 s2, $0x1  }
0x7: {  	[smem:$0x7FF] =	sst s3;
	s5 =	sadd.s32 $0x400, s0;
	s7 =	sadd.s32 $0x40800, s0  }
0x8: {  	s9 =	sadd.s32 $0x1000, s6;
	_ =	strace $0x80000047;
	[dreg:$0x3] =	wrdreg s5  }
0x9: {  	s2 =	sor.u32 s1, s2;
	s1 =	ssub.s32 $0x2, s1;
	[dreg:$0x4] =	wrdreg s7  }
0xa: {  	s4 =	sshll.u32 s2, $0xD;
	s30 =	sshrl.u32 s1, $0x1;
	s2 =	sshll.u32 s2, $0x5  }
0xb: {  	s4 =	sadd.s32 s4, s0;
	[dreg:$0x6] =	wrdreg s2;
	s0 =	sadd.s32 $0x900, s0  }
0xc: {  	s1 =	ssub.s32 s1, s30;
	s4 =	sadd.s32 $0x800, s4;
	[dreg:$0x7] =	wrdreg s0  }
0xd: {  	s10 =	sadd.s32 $0x2000, s6;
	s31 =	smax.u32 s1, $0x1;
	[dreg:$0x5] =	wrdreg s4  }
0xe: {  	s11 =	sadd.s32 $0x3000, s6;
	s1 =	simm.s32 $0x0;
	[dreg:$0x8] =	wrdreg s31  }
.LBB2_1:
0xf: {  	[dreg:$0x9] =	wrdreg s1  }
0x10: {  	s0 =	rddreg [dreg:$0x4];
	s28 =	simm.s32 $0x3000;
	s29 =	simm.s32 $0x4  }
0x11: {  	[tilespmem:s28], [sflag:$0x4] =	stream.linear.gather [hbm4b:s0+s3], $0x80, $0x38;
	[tilespmem:$0x13080] =	vst v63  }
0x12: {  	_ =	swait.ge [sflag:s29], $0x80  }
0x13: {  	[sflag:s29] =	ssyncset.done $0x0  }
0x14: {  	[sflag:s29] =	ssyncadd.s32 $0xFFFFFF80  }
0x15: {  	v0 =	vld [tilespmem:$0x3000];
	_ =	sdelay $0x2  }
0x16: {  	s30 =	rddreg [dreg:$0x3]  }
0x17: {  	[tilespmem:s15], [sflag:$0x4] =	stream.linear.gather [hbm4b:s30+s3], $0x2000, $0x38;
	[tilespmem:$0x13080] =	vst v63  }
0x18: {  	_ =	swait.ge [sflag:s29], $0x2000;
	v7 =	vand.u32 $0x7F, v0  }
0x19: {  	s22 =	simm.s32 $0x0;
	[sflag:s29] =	ssyncset.done $0x0;
	v1 =	vor.u32 $0x80, v7  }
0x1a: {  	s23 =	simm.s32 $0x0;
	s31 =	rddreg [dreg:$0x5];
	[sflag:s29] =	ssyncadd.s32 $0xFFFFE000;
	v2 =	vor.u32 $0x100, v7;
	v3 =	vor.u32 $0x180, v7;
	v4 =	vor.u32 $0x200, v7  }
0x1b: {  	[tilespmem:s3], [sflag:$0x3] =	stream.linear.gather [hbm4b:s31+s3], $0x800, $0x38;
	v5 =	vor.u32 $0x280, v7;
	v6 =	vor.u32 $0x300, v7;
	v7 =	vor.u32 $0x380, v7;
	[tilespmem:$0x13080] =	vst v63  }
.LBB2_2:
0x1c: {  	p0 =	seq.s32 s23, $0x1F  }
0x1d: {  	p1 =	seq.s32 @!p0 s23, $0x0  }
0x1e: {  	s0 =	rddreg [dreg:$0x6];
	p1 =	por p0, !p1  }
.Ltmp0:
0x1f: {  	_ =	swait.ge [sflag:s16], $0x800;
	s24 =	sadd.s32 s0, s23;
	(pc) =	sbr.rel @!p1 .LBB2_3-.Ltmp0, $4  }
0x20: {  	s0 =	sshll.u32 s23, $0xB;
	[sflag:s16] =	ssyncset.done $0x0;
	s2 =	rddreg [dreg:$0x7]  }
0x21: {  	[sflag:s16] =	ssyncadd.s32 $0xFFFFF800;
	s0 =	sxor.u32 @!p0 $0xFFFFFFFF, s0;
	s1 =	sshll.u32 @!p0 s24, $0x8  }
0x22: {  	s0 =	sand.u32 @!p0 $0x800, s0;
	s1 =	sadd.s32 @!p0 s1, s2;
	s2 =	simm.s32 @!p0 $0x0  }
0x23: {  	[tilespmem:s0], [sflag:$0x3] =	stream.linear.gather @!p0 [hbm4b:s1+s2], $0x800, $0x38;
	[tilespmem:$0x13080] =	vst v63  }
.Ltmp1:
0x24: {  	(pc) =	sbr.rel .LBB2_5-.Ltmp1, $4  }
0x25: {  	_ = 	snop  }
0x26: {  	_ =	swait.ge [sflag:s19], $0x8000  }
0x27: {  	[sflag:s19] =	ssyncset.done $0x0  }
0x28: {  	p0 =	por $0x0, $0x0;
	[sflag:s19] =	ssyncadd.s32 $0xFFFF8000  }
.LBB2_3:
0x29: {  	p0 =	por @!p0 $0x1, $0x1  }
.LBB2_5:
0x2a: {  	s23 =	sadd.s32 $0x1, s23;
	s25 =	simm.s32 $0xFFFFFFFE  }
0x2b: {  	s26 =	simm.s32 $0x0;
	s28 =	simm.s32 $0x0;
	s29 =	simm.s32 $0x0  }
.LBB2_6:
0x2c: {  	s0 =	sadd.s32 s26, s22  }
0x2d: {  	s30 =	sand.u32 $0xF80, s0;
	s0 =	sand.u32 $0x60, s26  }
0x2e: {  	s1 =	sor.u32 s0, s30  }
0x2f: {  	v8 =	vld [tilespmem:s1+$0x0];
	_ =	sdelay $0x4  }
0x30: {  	v8 =	vshll.u32 v8, $0xA  }
0x31: {  	v8 =	vadd.s32 v0, v8  }
0x32: {  	v9 =	vadd.s32 $0x10, v8  }
0x33: {  	v10 =	vadd.s32 $0x20, v8  }
0x34: {  	v11 =	vadd.s32 $0x30, v8  }
0x35: {  	v12 =	vadd.s32 $0x40, v8  }
0x36: {  	v14 =	vadd.s32 $0x50, v8;
	v13 =	vld.idx.msk [tilespmem:v8+s15+$0x0], $0xffff  }
0x37: {  	v15 =	vadd.s32 $0x60, v8;
	v9 =	vld.idx.msk [tilespmem:v9+s15+$0x0], $0xffff  }
0x38: {  	v16 =	vadd.s32 $0x70, v8;
	v10 =	vld.idx.msk [tilespmem:v10+s15+$0x0], $0xffff  }
0x39: {  	v18 =	vadd.s32 $0x90, v8;
	v11 =	vld.idx.msk [tilespmem:v11+s15+$0x0], $0xffff  }
0x3a: {  	v19 =	vadd.s32 $0xA0, v8;
	v12 =	vld.idx.msk [tilespmem:v12+s15+$0x0], $0xffff  }
0x3b: {  	v20 =	vadd.s32 $0xB0, v8;
	v14 =	vld.idx.msk [tilespmem:v14+s15+$0x0], $0xffff  }
0x3c: {  	v21 =	vadd.s32 $0xC0, v8;
	v15 =	vld.idx.msk [tilespmem:v15+s15+$0x0], $0xffff  }
0x3d: {  	v22 =	vadd.s32 $0xD0, v8;
	v16 =	vld.idx.msk [tilespmem:v16+s15+$0x0], $0xffff  }
0x3e: {  	v17 =	vand.u32 $0xFFFFFF80, v8;
	v23 =	vadd.s32 $0xE0, v8;
	v18 =	vld.idx.msk [tilespmem:v18+s15+$0x0], $0xffff  }
0x3f: {  	v17 =	vadd.s32 v1, v17;
	v19 =	vld.idx.msk [tilespmem:v19+s15+$0x0], $0xffff  }
0x40: {  	v8 =	vadd.s32 $0xF0, v8;
	v20 =	vld.idx.msk [tilespmem:v20+s15+$0x0], $0xffff  }
0x41: {  	v21 =	vld.idx.msk [tilespmem:v21+s15+$0x0], $0xffff  }
0x42: {  	s21 =	sand.u32 $0x3C00, s29;
	v22 =	vld.idx.msk [tilespmem:v22+s15+$0x0], $0xffff  }
0x43: {  	s31 =	sadd.s32 $0x3080, s21;
	v23 =	vld.idx.msk [tilespmem:v23+s15+$0x0], $0xffff  }
0x44: {  	s2 =	sor.u32 s0, s31;
	v17 =	vld.idx.msk [tilespmem:v17+s15+$0x0], $0xffff  }
0x45: {  	v8 =	vld.idx.msk [tilespmem:v8+s15+$0x0], $0xffff;
	[tilespmem:s2+$0x0] =	vst v13  }
0x46: {  	[tilespmem:s2+$0x80] =	vst v9  }
0x47: {  	s4 =	sand.u32 $0x3, s28;
	[tilespmem:s2+$0x100] =	vst v10  }
0x48: {  	s1 =	sshll.u32 s4, $0x5;
	[tilespmem:s2+$0x180] =	vst v11  }
0x49: {  	s1 =	sadd.s32 s1, s29;
	[tilespmem:s2+$0x200] =	vst v12  }
0x4a: {  	s5 =	sor.u32 $0x300, s1;
	[tilespmem:s2+$0x280] =	vst v14  }
0x4b: {  	s13 =	sadd.s32 $0x7080, s21;
	s6 =	sor.u32 $0x380, s1;
	[tilespmem:s5+$0x3080] =	vst v15  }
0x4c: {  	s7 =	sor.u32 s0, s13;
	s4 =	sadd.s32 $0x7100, s21;
	[tilespmem:s6+$0x3080] =	vst v16  }
0x4d: {  	s8 =	sor.u32 s0, s4;
	s5 =	sadd.s32 $0x7180, s21;
	[tilespmem:s7+$0x0] =	vst v17  }
0x4e: {  	s12 =	sor.u32 s0, s5;
	s6 =	sadd.s32 $0x7200, s21;
	[tilespmem:s8+$0x0] =	vst v18  }
0x4f: {  	s14 =	sor.u32 s0, s6;
	[tilespmem:s12+$0x0] =	vst v19;
	s12 =	sadd.s32 $0x7280, s21  }
0x50: {  	[tilespmem:s14+$0x0] =	vst v20;
	s7 =	sor.u32 s0, s12;
	s14 =	sadd.s32 $0x7300, s21  }
0x51: {  	s2 =	sadd.s32 $0x7380, s21;
	[tilespmem:s7+$0x0] =	vst v21;
	s7 =	sor.u32 s0, s14  }
0x52: {  	s8 =	sor.u32 s0, s2;
	s21 =	sadd.s32 $0x7400, s21;
	[tilespmem:s7+$0x0] =	vst v22  }
0x53: {  	[tilespmem:s8+$0x0] =	vst v23;
	s8 =	sor.u32 s0, s21;
	s0 =	sor.u32 $0x10, s0  }
0x54: {  	[tilespmem:s8+$0x0] =	vst v8;
	s30 =	sor.u32 s0, s30  }
0x55: {  	v8 =	vld [tilespmem:s30+$0x0];
	_ =	sdelay $0x4  }
0x56: {  	v8 =	vshll.u32 v8, $0xA  }
0x57: {  	v8 =	vadd.s32 v0, v8  }
0x58: {  	v50 =	vadd.s32 $0x10, v8  }
0x59: {  	v51 =	vadd.s32 $0x20, v8  }
0x5a: {  	v52 =	vadd.s32 $0x30, v8  }
0x5b: {  	v53 =	vadd.s32 $0x40, v8  }
0x5c: {  	v54 =	vadd.s32 $0x50, v8;
	v13 =	vld.idx.msk [tilespmem:v8+s15+$0x0], $0xffff  }
0x5d: {  	v55 =	vadd.s32 $0x60, v8;
	v9 =	vld.idx.msk [tilespmem:v50+s15+$0x0], $0xffff  }
0x5e: {  	v56 =	vadd.s32 $0x70, v8;
	v10 =	vld.idx.msk [tilespmem:v51+s15+$0x0], $0xffff  }
0x5f: {  	v58 =	vadd.s32 $0x90, v8;
	v11 =	vld.idx.msk [tilespmem:v52+s15+$0x0], $0xffff  }
0x60: {  	v59 =	vadd.s32 $0xA0, v8;
	v12 =	vld.idx.msk [tilespmem:v53+s15+$0x0], $0xffff  }
0x61: {  	v60 =	vadd.s32 $0xB0, v8;
	v14 =	vld.idx.msk [tilespmem:v54+s15+$0x0], $0xffff  }
0x62: {  	v61 =	vadd.s32 $0xC0, v8;
	v15 =	vld.idx.msk [tilespmem:v55+s15+$0x0], $0xffff  }
0x63: {  	v62 =	vadd.s32 $0xD0, v8;
	v16 =	vld.idx.msk [tilespmem:v56+s15+$0x0], $0xffff  }
0x64: {  	v57 =	vand.u32 $0xFFFFFF80, v8;
	v63 =	vadd.s32 $0xE0, v8;
	v18 =	vld.idx.msk [tilespmem:v58+s15+$0x0], $0xffff  }
0x65: {  	v17 =	vadd.s32 v1, v57;
	v19 =	vld.idx.msk [tilespmem:v59+s15+$0x0], $0xffff  }
0x66: {  	v8 =	vadd.s32 $0xF0, v8;
	v20 =	vld.idx.msk [tilespmem:v60+s15+$0x0], $0xffff  }
0x67: {  	v21 =	vld.idx.msk [tilespmem:v61+s15+$0x0], $0xffff  }
0x68: {  	v22 =	vld.idx.msk [tilespmem:v62+s15+$0x0], $0xffff  }
0x69: {  	v23 =	vld.idx.msk [tilespmem:v63+s15+$0x0], $0xffff  }
0x6a: {  	s8 =	sor.u32 s0, s31;
	v17 =	vld.idx.msk [tilespmem:v17+s15+$0x0], $0xffff  }
0x6b: {  	v8 =	vld.idx.msk [tilespmem:v8+s15+$0x0], $0xffff;
	[tilespmem:s8+$0x0] =	vst v13  }
0x6c: {  	[tilespmem:s8+$0x80] =	vst v9  }
0x6d: {  	[tilespmem:s8+$0x100] =	vst v10  }
0x6e: {  	[tilespmem:s8+$0x180] =	vst v11  }
0x6f: {  	s1 =	sadd.s32 $0x10, s1;
	[tilespmem:s8+$0x200] =	vst v12  }
0x70: {  	s30 =	sor.u32 $0x300, s1;
	[tilespmem:s8+$0x280] =	vst v14  }
0x71: {  	s1 =	sor.u32 $0x380, s1;
	[tilespmem:s30+$0x3080] =	vst v15  }
0x72: {  	s31 =	sor.u32 s0, s13;
	[tilespmem:s1+$0x3080] =	vst v16  }
0x73: {  	s4 =	sor.u32 s0, s4;
	[tilespmem:s31+$0x0] =	vst v17  }
0x74: {  	s25 =	sadd.s32 $0x2, s25;
	s7 =	sor.u32 s0, s5;
	[tilespmem:s4+$0x0] =	vst v18  }
0x75: {  	p1 =	slt.u32 s25, $0x7E;
	s8 =	sor.u32 s0, s6;
	[tilespmem:s7+$0x0] =	vst v19  }
.Ltmp2:
0x76: {  	s13 =	sor.u32 s0, s12;
	[tilespmem:s8+$0x0] =	vst v20;
	(pc) =	sbr.rel @p1 .LBB2_6-.Ltmp2, $4  }
0x77: {  	s30 =	sor.u32 s0, s14;
	[tilespmem:s13+$0x0] =	vst v21  }
0x78: {  	s31 =	sor.u32 s0, s2;
	[tilespmem:s30+$0x0] =	vst v22  }
0x79: {  	s0 =	sor.u32 s0, s21;
	[tilespmem:s31+$0x0] =	vst v23  }
0x7a: {  	s28 =	sadd.s32 $0x1, s28;
	s26 =	sadd.s32 $0x20, s26;
	s29 =	sadd.s32 $0x100, s29;
	[tilespmem:s0+$0x0] =	vst v8  }
0x7b: {  	s24 =	sshll.u32 s24, $0xE;
	s0 =	rddreg [dreg:$0x1]  }
0x7c: {  	s0 =	sadd.s32 s0, s24  }
0x7d: {  	[hbm4b:s0+s3] =	stream.linear.scatter [tilespmem:s17], [sflag:$0x1], $0x8000, $0x38;
	[tilespmem:$0x13080] =	vst v63  }
0x7e: {  	s0 =	simm.s32 @!p0 $0x2  }
0x7f: {  	_ =	swait.ge @!p0 [sflag:s0], $0x8000  }
0x80: {  	s25 =	simm.s32 $0xFFFFFFFE;
	s26 =	simm.s32 $0x0;
	[sflag:s0] =	ssyncset.done @!p0 $0x0  }
0x81: {  	s28 =	simm.s32 $0x0;
	s29 =	simm.s32 $0x0;
	[sflag:s0] =	ssyncadd.s32 @!p0 $0xFFFF8000  }
.LBB2_8:
0x82: {  	s0 =	sadd.s32 s26, s22  }
0x83: {  	s30 =	sand.u32 $0xF80, s0;
	s0 =	sand.u32 $0x60, s26  }
0x84: {  	s1 =	sor.u32 s0, s30  }
0x85: {  	v8 =	vld [tilespmem:s1+$0x0];
	_ =	sdelay $0x4  }
0x86: {  	v8 =	vshll.u32 v8, $0xA  }
0x87: {  	v8 =	vadd.s32 v0, v8  }
0x88: {  	v11 =	vadd.s32 $0x110, v8  }
0x89: {  	v12 =	vadd.s32 $0x120, v8  }
0x8a: {  	v13 =	vadd.s32 $0x130, v8  }
0x8b: {  	v14 =	vadd.s32 $0x140, v8  }
0x8c: {  	v15 =	vadd.s32 $0x150, v8  }
0x8d: {  	v16 =	vadd.s32 $0x160, v8;
	v11 =	vld.idx.msk [tilespmem:v11+s15+$0x0], $0xffff  }
0x8e: {  	v17 =	vadd.s32 $0x170, v8;
	v12 =	vld.idx.msk [tilespmem:v12+s15+$0x0], $0xffff  }
0x8f: {  	v18 =	vadd.s32 $0x190, v8;
	v13 =	vld.idx.msk [tilespmem:v13+s15+$0x0], $0xffff  }
0x90: {  	v19 =	vadd.s32 $0x1A0, v8;
	v14 =	vld.idx.msk [tilespmem:v14+s15+$0x0], $0xffff  }
0x91: {  	v20 =	vadd.s32 $0x1B0, v8;
	v15 =	vld.idx.msk [tilespmem:v15+s15+$0x0], $0xffff  }
0x92: {  	v21 =	vadd.s32 $0x1C0, v8;
	v16 =	vld.idx.msk [tilespmem:v16+s15+$0x0], $0xffff  }
0x93: {  	v22 =	vadd.s32 $0x1D0, v8;
	v17 =	vld.idx.msk [tilespmem:v17+s15+$0x0], $0xffff  }
0x94: {  	v23 =	vadd.s32 $0x1E0, v8;
	v18 =	vld.idx.msk [tilespmem:v18+s15+$0x0], $0xffff  }
0x95: {  	v9 =	vand.u32 $0xFFFFFF80, v8;
	v8 =	vadd.s32 $0x1F0, v8;
	v19 =	vld.idx.msk [tilespmem:v19+s15+$0x0], $0xffff  }
0x96: {  	v10 =	vadd.s32 v2, v9;
	v20 =	vld.idx.msk [tilespmem:v20+s15+$0x0], $0xffff  }
0x97: {  	v9 =	vadd.s32 v3, v9;
	v21 =	vld.idx.msk [tilespmem:v21+s15+$0x0], $0xffff  }
0x98: {  	v22 =	vld.idx.msk [tilespmem:v22+s15+$0x0], $0xffff  }
0x99: {  	s2 =	sand.u32 $0x3C00, s29;
	v23 =	vld.idx.msk [tilespmem:v23+s15+$0x0], $0xffff  }
0x9a: {  	s31 =	sadd.s32 $0xB080, s2;
	v8 =	vld.idx.msk [tilespmem:v8+s15+$0x0], $0xffff  }
0x9b: {  	s4 =	sor.u32 s0, s31;
	v10 =	vld.idx.msk [tilespmem:v10+s15+$0x0], $0xffff  }
0x9c: {  	v9 =	vld.idx.msk [tilespmem:v9+s15+$0x0], $0xffff;
	[tilespmem:s4+$0x80] =	vst v11  }
0x9d: {  	[tilespmem:s4+$0x100] =	vst v12  }
0x9e: {  	s7 =	sand.u32 $0x3, s28;
	[tilespmem:s4+$0x180] =	vst v13  }
0x9f: {  	s1 =	sshll.u32 s7, $0x5;
	[tilespmem:s4+$0x200] =	vst v14  }
0xa0: {  	s1 =	sadd.s32 s1, s29;
	[tilespmem:s4+$0x280] =	vst v15  }
0xa1: {  	s8 =	sor.u32 $0x300, s1;
	[tilespmem:s4+$0x0] =	vst v10  }
0xa2: {  	s13 =	sadd.s32 $0xF080, s2;
	s12 =	sor.u32 $0x380, s1;
	[tilespmem:s8+$0xB080] =	vst v16  }
0xa3: {  	s5 =	sor.u32 s0, s13;
	s4 =	sadd.s32 $0xF100, s2;
	[tilespmem:s12+$0xB080] =	vst v17  }
0xa4: {  	s6 =	sor.u32 s0, s4;
	[tilespmem:s5+$0x0] =	vst v9;
	s5 =	sadd.s32 $0xF180, s2  }
0xa5: {  	[tilespmem:s6+$0x0] =	vst v18;
	s7 =	sor.u32 s0, s5;
	s6 =	sadd.s32 $0xF200, s2  }
0xa6: {  	s12 =	sadd.s32 $0xF280, s2;
	[tilespmem:s7+$0x0] =	vst v19;
	s14 =	sor.u32 s0, s6  }
0xa7: {  	s21 =	sor.u32 s0, s12;
	[tilespmem:s14+$0x0] =	vst v20;
	s14 =	sadd.s32 $0xF300, s2  }
0xa8: {  	[tilespmem:s21+$0x0] =	vst v21;
	s8 =	sor.u32 s0, s14;
	s21 =	sadd.s32 $0xF380, s2  }
0xa9: {  	s2 =	sadd.s32 $0xF400, s2;
	[tilespmem:s8+$0x0] =	vst v22;
	s8 =	sor.u32 s0, s21  }
0xaa: {  	[tilespmem:s8+$0x0] =	vst v23;
	s8 =	sor.u32 s0, s2;
	s0 =	sor.u32 $0x10, s0  }
0xab: {  	[tilespmem:s8+$0x0] =	vst v8;
	s30 =	sor.u32 s0, s30  }
0xac: {  	v8 =	vld [tilespmem:s30+$0x0];
	_ =	sdelay $0x4  }
0xad: {  	v8 =	vshll.u32 v8, $0xA  }
0xae: {  	v8 =	vadd.s32 v0, v8  }
0xaf: {  	v51 =	vadd.s32 $0x110, v8  }
0xb0: {  	v52 =	vadd.s32 $0x120, v8  }
0xb1: {  	v53 =	vadd.s32 $0x130, v8  }
0xb2: {  	v54 =	vadd.s32 $0x140, v8  }
0xb3: {  	v55 =	vadd.s32 $0x150, v8  }
0xb4: {  	v56 =	vadd.s32 $0x160, v8;
	v11 =	vld.idx.msk [tilespmem:v51+s15+$0x0], $0xffff  }
0xb5: {  	v57 =	vadd.s32 $0x170, v8;
	v12 =	vld.idx.msk [tilespmem:v52+s15+$0x0], $0xffff  }
0xb6: {  	v58 =	vadd.s32 $0x190, v8;
	v13 =	vld.idx.msk [tilespmem:v53+s15+$0x0], $0xffff  }
0xb7: {  	v59 =	vadd.s32 $0x1A0, v8;
	v14 =	vld.idx.msk [tilespmem:v54+s15+$0x0], $0xffff  }
0xb8: {  	v60 =	vadd.s32 $0x1B0, v8;
	v15 =	vld.idx.msk [tilespmem:v55+s15+$0x0], $0xffff  }
0xb9: {  	v61 =	vadd.s32 $0x1C0, v8;
	v16 =	vld.idx.msk [tilespmem:v56+s15+$0x0], $0xffff  }
0xba: {  	v62 =	vadd.s32 $0x1D0, v8;
	v17 =	vld.idx.msk [tilespmem:v57+s15+$0x0], $0xffff  }
0xbb: {  	v63 =	vadd.s32 $0x1E0, v8;
	v18 =	vld.idx.msk [tilespmem:v58+s15+$0x0], $0xffff  }
0xbc: {  	v49 =	vand.u32 $0xFFFFFF80, v8;
	v8 =	vadd.s32 $0x1F0, v8;
	v19 =	vld.idx.msk [tilespmem:v59+s15+$0x0], $0xffff  }
0xbd: {  	v50 =	vadd.s32 v2, v49;
	v20 =	vld.idx.msk [tilespmem:v60+s15+$0x0], $0xffff  }
0xbe: {  	v9 =	vadd.s32 v3, v49;
	v21 =	vld.idx.msk [tilespmem:v61+s15+$0x0], $0xffff  }
0xbf: {  	v22 =	vld.idx.msk [tilespmem:v62+s15+$0x0], $0xffff  }
0xc0: {  	v23 =	vld.idx.msk [tilespmem:v63+s15+$0x0], $0xffff  }
0xc1: {  	v8 =	vld.idx.msk [tilespmem:v8+s15+$0x0], $0xffff  }
0xc2: {  	s8 =	sor.u32 s0, s31;
	v10 =	vld.idx.msk [tilespmem:v50+s15+$0x0], $0xffff  }
0xc3: {  	v9 =	vld.idx.msk [tilespmem:v9+s15+$0x0], $0xffff;
	[tilespmem:s8+$0x80] =	vst v11  }
0xc4: {  	[tilespmem:s8+$0x100] =	vst v12  }
0xc5: {  	[tilespmem:s8+$0x180] =	vst v13  }
0xc6: {  	[tilespmem:s8+$0x200] =	vst v14  }
0xc7: {  	s1 =	sadd.s32 $0x10, s1;
	[tilespmem:s8+$0x280] =	vst v15  }
0xc8: {  	s30 =	sor.u32 $0x300, s1;
	[tilespmem:s8+$0x0] =	vst v10  }
0xc9: {  	s1 =	sor.u32 $0x380, s1;
	[tilespmem:s30+$0xB080] =	vst v16  }
0xca: {  	s31 =	sor.u32 s0, s13;
	[tilespmem:s1+$0xB080] =	vst v17  }
0xcb: {  	s4 =	sor.u32 s0, s4;
	[tilespmem:s31+$0x0] =	vst v9  }
0xcc: {  	s25 =	sadd.s32 $0x2, s25;
	s7 =	sor.u32 s0, s5;
	[tilespmem:s4+$0x0] =	vst v18  }
0xcd: {  	p0 =	slt.u32 s25, $0x7E;
	s8 =	sor.u32 s0, s6;
	[tilespmem:s7+$0x0] =	vst v19  }
.Ltmp3:
0xce: {  	s13 =	sor.u32 s0, s12;
	[tilespmem:s8+$0x0] =	vst v20;
	(pc) =	sbr.rel @p0 .LBB2_8-.Ltmp3, $4  }
0xcf: {  	s30 =	sor.u32 s0, s14;
	[tilespmem:s13+$0x0] =	vst v21  }
0xd0: {  	s31 =	sor.u32 s0, s21;
	[tilespmem:s30+$0x0] =	vst v22  }
0xd1: {  	s0 =	sor.u32 s0, s2;
	[tilespmem:s31+$0x0] =	vst v23  }
0xd2: {  	s28 =	sadd.s32 $0x1, s28;
	s26 =	sadd.s32 $0x20, s26;
	s29 =	sadd.s32 $0x100, s29;
	[tilespmem:s0+$0x0] =	vst v8  }
0xd3: {  	s0 =	sadd.s32 s24, s9;
	s25 =	simm.s32 $0x0  }
0xd4: {  	[hbm4b:s0+s25] =	stream.linear.scatter [tilespmem:s18], [sflag:$0x2], $0x8000, $0x38;
	[tilespmem:$0x13080] =	vst v63  }
0xd5: {  	_ =	swait.ge [sflag:s19], $0x8000  }
0xd6: {  	s26 =	simm.s32 $0xFFFFFFFE;
	[sflag:s19] =	ssyncset.done $0x0  }
0xd7: {  	s28 =	simm.s32 $0x0;
	s29 =	simm.s32 $0x0;
	[sflag:s19] =	ssyncadd.s32 $0xFFFF8000  }
.LBB2_10:
0xd8: {  	s0 =	sadd.s32 s25, s22  }
0xd9: {  	s30 =	sand.u32 $0xF80, s0;
	s0 =	sand.u32 $0x60, s25  }
0xda: {  	s1 =	sor.u32 s0, s30  }
0xdb: {  	v8 =	vld [tilespmem:s1+$0x0];
	_ =	sdelay $0x4  }
0xdc: {  	v8 =	vshll.u32 v8, $0xA  }
0xdd: {  	v8 =	vadd.s32 v0, v8  }
0xde: {  	v11 =	vadd.s32 $0x210, v8  }
0xdf: {  	v12 =	vadd.s32 $0x220, v8  }
0xe0: {  	v13 =	vadd.s32 $0x230, v8  }
0xe1: {  	v14 =	vadd.s32 $0x240, v8  }
0xe2: {  	v15 =	vadd.s32 $0x250, v8  }
0xe3: {  	v16 =	vadd.s32 $0x260, v8;
	v11 =	vld.idx.msk [tilespmem:v11+s15+$0x0], $0xffff  }
0xe4: {  	v17 =	vadd.s32 $0x270, v8;
	v12 =	vld.idx.msk [tilespmem:v12+s15+$0x0], $0xffff  }
0xe5: {  	v18 =	vadd.s32 $0x290, v8;
	v13 =	vld.idx.msk [tilespmem:v13+s15+$0x0], $0xffff  }
0xe6: {  	v19 =	vadd.s32 $0x2A0, v8;
	v14 =	vld.idx.msk [tilespmem:v14+s15+$0x0], $0xffff  }
0xe7: {  	v20 =	vadd.s32 $0x2B0, v8;
	v15 =	vld.idx.msk [tilespmem:v15+s15+$0x0], $0xffff  }
0xe8: {  	v21 =	vadd.s32 $0x2C0, v8;
	v16 =	vld.idx.msk [tilespmem:v16+s15+$0x0], $0xffff  }
0xe9: {  	v22 =	vadd.s32 $0x2D0, v8;
	v17 =	vld.idx.msk [tilespmem:v17+s15+$0x0], $0xffff  }
0xea: {  	v23 =	vadd.s32 $0x2E0, v8;
	v18 =	vld.idx.msk [tilespmem:v18+s15+$0x0], $0xffff  }
0xeb: {  	v9 =	vand.u32 $0xFFFFFF80, v8;
	v8 =	vadd.s32 $0x2F0, v8;
	v19 =	vld.idx.msk [tilespmem:v19+s15+$0x0], $0xffff  }
0xec: {  	v10 =	vadd.s32 v4, v9;
	v20 =	vld.idx.msk [tilespmem:v20+s15+$0x0], $0xffff  }
0xed: {  	v9 =	vadd.s32 v5, v9;
	v21 =	vld.idx.msk [tilespmem:v21+s15+$0x0], $0xffff  }
0xee: {  	v22 =	vld.idx.msk [tilespmem:v22+s15+$0x0], $0xffff  }
0xef: {  	s7 =	sand.u32 $0x3C00, s29;
	v23 =	vld.idx.msk [tilespmem:v23+s15+$0x0], $0xffff  }
0xf0: {  	s31 =	sadd.s32 $0x3080, s7;
	v8 =	vld.idx.msk [tilespmem:v8+s15+$0x0], $0xffff  }
0xf1: {  	s2 =	sor.u32 s0, s31;
	v10 =	vld.idx.msk [tilespmem:v10+s15+$0x0], $0xffff  }
0xf2: {  	v9 =	vld.idx.msk [tilespmem:v9+s15+$0x0], $0xffff;
	[tilespmem:s2+$0x80] =	vst v11  }
0xf3: {  	[tilespmem:s2+$0x100] =	vst v12  }
0xf4: {  	s21 =	sand.u32 $0x3, s28;
	[tilespmem:s2+$0x180] =	vst v13  }
0xf5: {  	s1 =	sshll.u32 s21, $0x5;
	[tilespmem:s2+$0x200] =	vst v14  }
0xf6: {  	s1 =	sadd.s32 s1, s29;
	[tilespmem:s2+$0x280] =	vst v15  }
0xf7: {  	s4 =	sor.u32 $0x300, s1;
	[tilespmem:s2+$0x0] =	vst v10  }
0xf8: {  	s13 =	sadd.s32 $0x7080, s7;
	s5 =	sor.u32 $0x380, s1;
	[tilespmem:s4+$0x3080] =	vst v16  }
0xf9: {  	s6 =	sor.u32 s0, s13;
	s4 =	sadd.s32 $0x7100, s7;
	[tilespmem:s5+$0x3080] =	vst v17  }
0xfa: {  	s8 =	sor.u32 s0, s4;
	s5 =	sadd.s32 $0x7180, s7;
	[tilespmem:s6+$0x0] =	vst v9  }
0xfb: {  	s12 =	sor.u32 s0, s5;
	s6 =	sadd.s32 $0x7200, s7;
	[tilespmem:s8+$0x0] =	vst v18  }
0xfc: {  	s14 =	sor.u32 s0, s6;
	[tilespmem:s12+$0x0] =	vst v19;
	s12 =	sadd.s32 $0x7280, s7  }
0xfd: {  	[tilespmem:s14+$0x0] =	vst v20;
	s21 =	sor.u32 s0, s12;
	s14 =	sadd.s32 $0x7300, s7  }
0xfe: {  	s2 =	sadd.s32 $0x7380, s7;
	[tilespmem:s21+$0x0] =	vst v21;
	s21 =	sor.u32 s0, s14  }
0xff: {  	s8 =	sor.u32 s0, s2;
	[tilespmem:s21+$0x0] =	vst v22;
	s21 =	sadd.s32 $0x7400, s7  }
0x100: {  	[tilespmem:s8+$0x0] =	vst v23;
	s7 =	sor.u32 s0, s21;
	s0 =	sor.u32 $0x10, s0  }
0x101: {  	[tilespmem:s7+$0x0] =	vst v8;
	s30 =	sor.u32 s0, s30  }
0x102: {  	v8 =	vld [tilespmem:s30+$0x0];
	_ =	sdelay $0x4  }
0x103: {  	v8 =	vshll.u32 v8, $0xA  }
0x104: {  	v8 =	vadd.s32 v0, v8  }
0x105: {  	v51 =	vadd.s32 $0x210, v8  }
0x106: {  	v52 =	vadd.s32 $0x220, v8  }
0x107: {  	v53 =	vadd.s32 $0x230, v8  }
0x108: {  	v54 =	vadd.s32 $0x240, v8  }
0x109: {  	v55 =	vadd.s32 $0x250, v8  }
0x10a: {  	v56 =	vadd.s32 $0x260, v8;
	v11 =	vld.idx.msk [tilespmem:v51+s15+$0x0], $0xffff  }
0x10b: {  	v57 =	vadd.s32 $0x270, v8;
	v12 =	vld.idx.msk [tilespmem:v52+s15+$0x0], $0xffff  }
0x10c: {  	v58 =	vadd.s32 $0x290, v8;
	v13 =	vld.idx.msk [tilespmem:v53+s15+$0x0], $0xffff  }
0x10d: {  	v59 =	vadd.s32 $0x2A0, v8;
	v14 =	vld.idx.msk [tilespmem:v54+s15+$0x0], $0xffff  }
0x10e: {  	v60 =	vadd.s32 $0x2B0, v8;
	v15 =	vld.idx.msk [tilespmem:v55+s15+$0x0], $0xffff  }
0x10f: {  	v61 =	vadd.s32 $0x2C0, v8;
	v16 =	vld.idx.msk [tilespmem:v56+s15+$0x0], $0xffff  }
0x110: {  	v62 =	vadd.s32 $0x2D0, v8;
	v17 =	vld.idx.msk [tilespmem:v57+s15+$0x0], $0xffff  }
0x111: {  	v63 =	vadd.s32 $0x2E0, v8;
	v18 =	vld.idx.msk [tilespmem:v58+s15+$0x0], $0xffff  }
0x112: {  	v49 =	vand.u32 $0xFFFFFF80, v8;
	v8 =	vadd.s32 $0x2F0, v8;
	v19 =	vld.idx.msk [tilespmem:v59+s15+$0x0], $0xffff  }
0x113: {  	v50 =	vadd.s32 v4, v49;
	v20 =	vld.idx.msk [tilespmem:v60+s15+$0x0], $0xffff  }
0x114: {  	v9 =	vadd.s32 v5, v49;
	v21 =	vld.idx.msk [tilespmem:v61+s15+$0x0], $0xffff  }
0x115: {  	v22 =	vld.idx.msk [tilespmem:v62+s15+$0x0], $0xffff  }
0x116: {  	v23 =	vld.idx.msk [tilespmem:v63+s15+$0x0], $0xffff  }
0x117: {  	v8 =	vld.idx.msk [tilespmem:v8+s15+$0x0], $0xffff  }
0x118: {  	s8 =	sor.u32 s0, s31;
	v10 =	vld.idx.msk [tilespmem:v50+s15+$0x0], $0xffff  }
0x119: {  	v9 =	vld.idx.msk [tilespmem:v9+s15+$0x0], $0xffff;
	[tilespmem:s8+$0x80] =	vst v11  }
0x11a: {  	[tilespmem:s8+$0x100] =	vst v12  }
0x11b: {  	[tilespmem:s8+$0x180] =	vst v13  }
0x11c: {  	[tilespmem:s8+$0x200] =	vst v14  }
0x11d: {  	s1 =	sadd.s32 $0x10, s1;
	[tilespmem:s8+$0x280] =	vst v15  }
0x11e: {  	s30 =	sor.u32 $0x300, s1;
	[tilespmem:s8+$0x0] =	vst v10  }
0x11f: {  	s1 =	sor.u32 $0x380, s1;
	[tilespmem:s30+$0x3080] =	vst v16  }
0x120: {  	s31 =	sor.u32 s0, s13;
	[tilespmem:s1+$0x3080] =	vst v17  }
0x121: {  	s4 =	sor.u32 s0, s4;
	[tilespmem:s31+$0x0] =	vst v9  }
0x122: {  	s26 =	sadd.s32 $0x2, s26;
	s7 =	sor.u32 s0, s5;
	[tilespmem:s4+$0x0] =	vst v18  }
0x123: {  	p0 =	slt.u32 s26, $0x7E;
	s8 =	sor.u32 s0, s6;
	[tilespmem:s7+$0x0] =	vst v19  }
.Ltmp4:
0x124: {  	s13 =	sor.u32 s0, s12;
	[tilespmem:s8+$0x0] =	vst v20;
	(pc) =	sbr.rel @p0 .LBB2_10-.Ltmp4, $4  }
0x125: {  	s30 =	sor.u32 s0, s14;
	[tilespmem:s13+$0x0] =	vst v21  }
0x126: {  	s31 =	sor.u32 s0, s2;
	[tilespmem:s30+$0x0] =	vst v22  }
0x127: {  	s0 =	sor.u32 s0, s21;
	[tilespmem:s31+$0x0] =	vst v23  }
0x128: {  	s28 =	sadd.s32 $0x1, s28;
	s25 =	sadd.s32 $0x20, s25;
	s29 =	sadd.s32 $0x100, s29;
	[tilespmem:s0+$0x0] =	vst v8  }
0x129: {  	s0 =	sadd.s32 s24, s10;
	s25 =	simm.s32 $0x0  }
0x12a: {  	[hbm4b:s0+s25] =	stream.linear.scatter [tilespmem:s17], [sflag:$0x1], $0x8000, $0x38;
	[tilespmem:$0x13080] =	vst v63  }
0x12b: {  	_ =	swait.ge [sflag:s20], $0x8000  }
0x12c: {  	s26 =	simm.s32 $0xFFFFFFFE;
	[sflag:s20] =	ssyncset.done $0x0  }
0x12d: {  	s28 =	simm.s32 $0x0;
	s29 =	simm.s32 $0x0;
	[sflag:s20] =	ssyncadd.s32 $0xFFFF8000  }
.LBB2_12:
0x12e: {  	s0 =	sadd.s32 s25, s22  }
0x12f: {  	s30 =	sand.u32 $0xF80, s0;
	s0 =	sand.u32 $0x60, s25  }
0x130: {  	s1 =	sor.u32 s0, s30  }
0x131: {  	v8 =	vld [tilespmem:s1+$0x0];
	_ =	sdelay $0x4  }
0x132: {  	v8 =	vshll.u32 v8, $0xA  }
0x133: {  	v8 =	vadd.s32 v0, v8  }
0x134: {  	v11 =	vadd.s32 $0x310, v8  }
0x135: {  	v12 =	vadd.s32 $0x320, v8  }
0x136: {  	v13 =	vadd.s32 $0x330, v8  }
0x137: {  	v14 =	vadd.s32 $0x340, v8  }
0x138: {  	v15 =	vadd.s32 $0x350, v8  }
0x139: {  	v16 =	vadd.s32 $0x360, v8;
	v11 =	vld.idx.msk [tilespmem:v11+s15+$0x0], $0xffff  }
0x13a: {  	v17 =	vadd.s32 $0x370, v8;
	v12 =	vld.idx.msk [tilespmem:v12+s15+$0x0], $0xffff  }
0x13b: {  	v18 =	vadd.s32 $0x390, v8;
	v13 =	vld.idx.msk [tilespmem:v13+s15+$0x0], $0xffff  }
0x13c: {  	v19 =	vadd.s32 $0x3A0, v8;
	v14 =	vld.idx.msk [tilespmem:v14+s15+$0x0], $0xffff  }
0x13d: {  	v20 =	vadd.s32 $0x3B0, v8;
	v15 =	vld.idx.msk [tilespmem:v15+s15+$0x0], $0xffff  }
0x13e: {  	v21 =	vadd.s32 $0x3C0, v8;
	v16 =	vld.idx.msk [tilespmem:v16+s15+$0x0], $0xffff  }
0x13f: {  	v22 =	vadd.s32 $0x3D0, v8;
	v17 =	vld.idx.msk [tilespmem:v17+s15+$0x0], $0xffff  }
0x140: {  	v23 =	vadd.s32 $0x3E0, v8;
	v18 =	vld.idx.msk [tilespmem:v18+s15+$0x0], $0xffff  }
0x141: {  	v9 =	vand.u32 $0xFFFFFF80, v8;
	v8 =	vadd.s32 $0x3F0, v8;
	v19 =	vld.idx.msk [tilespmem:v19+s15+$0x0], $0xffff  }
0x142: {  	v10 =	vadd.s32 v6, v9;
	v20 =	vld.idx.msk [tilespmem:v20+s15+$0x0], $0xffff  }
0x143: {  	v9 =	vadd.s32 v7, v9;
	v21 =	vld.idx.msk [tilespmem:v21+s15+$0x0], $0xffff  }
0x144: {  	v22 =	vld.idx.msk [tilespmem:v22+s15+$0x0], $0xffff  }
0x145: {  	s7 =	sand.u32 $0x3C00, s29;
	v23 =	vld.idx.msk [tilespmem:v23+s15+$0x0], $0xffff  }
0x146: {  	s31 =	sadd.s32 $0xB080, s7;
	v8 =	vld.idx.msk [tilespmem:v8+s15+$0x0], $0xffff  }
0x147: {  	s2 =	sor.u32 s0, s31;
	v10 =	vld.idx.msk [tilespmem:v10+s15+$0x0], $0xffff  }
0x148: {  	v9 =	vld.idx.msk [tilespmem:v9+s15+$0x0], $0xffff;
	[tilespmem:s2+$0x80] =	vst v11  }
0x149: {  	[tilespmem:s2+$0x100] =	vst v12  }
0x14a: {  	s21 =	sand.u32 $0x3, s28;
	[tilespmem:s2+$0x180] =	vst v13  }
0x14b: {  	s1 =	sshll.u32 s21, $0x5;
	[tilespmem:s2+$0x200] =	vst v14  }
0x14c: {  	s1 =	sadd.s32 s1, s29;
	[tilespmem:s2+$0x280] =	vst v15  }
0x14d: {  	s4 =	sor.u32 $0x300, s1;
	[tilespmem:s2+$0x0] =	vst v10  }
0x14e: {  	s13 =	sadd.s32 $0xF080, s7;
	s5 =	sor.u32 $0x380, s1;
	[tilespmem:s4+$0xB080] =	vst v16  }
0x14f: {  	s6 =	sor.u32 s0, s13;
	s4 =	sadd.s32 $0xF100, s7;
	[tilespmem:s5+$0xB080] =	vst v17  }
0x150: {  	s8 =	sor.u32 s0, s4;
	s5 =	sadd.s32 $0xF180, s7;
	[tilespmem:s6+$0x0] =	vst v9  }
0x151: {  	s12 =	sor.u32 s0, s5;
	s6 =	sadd.s32 $0xF200, s7;
	[tilespmem:s8+$0x0] =	vst v18  }
0x152: {  	s14 =	sor.u32 s0, s6;
	[tilespmem:s12+$0x0] =	vst v19;
	s12 =	sadd.s32 $0xF280, s7  }
0x153: {  	[tilespmem:s14+$0x0] =	vst v20;
	s21 =	sor.u32 s0, s12;
	s14 =	sadd.s32 $0xF300, s7  }
0x154: {  	s2 =	sadd.s32 $0xF380, s7;
	[tilespmem:s21+$0x0] =	vst v21;
	s8 =	sor.u32 s0, s14  }
0x155: {  	s21 =	sadd.s32 $0xF400, s7;
	[tilespmem:s8+$0x0] =	vst v22;
	s8 =	sor.u32 s0, s2  }
0x156: {  	s7 =	sor.u32 s0, s21;
	s0 =	sor.u32 $0x10, s0;
	[tilespmem:s8+$0x0] =	vst v23  }
0x157: {  	s30 =	sor.u32 s0, s30;
	[tilespmem:s7+$0x0] =	vst v8  }
0x158: {  	v8 =	vld [tilespmem:s30+$0x0];
	_ =	sdelay $0x4  }
0x159: {  	v8 =	vshll.u32 v8, $0xA  }
0x15a: {  	v8 =	vadd.s32 v0, v8  }
0x15b: {  	v51 =	vadd.s32 $0x310, v8  }
0x15c: {  	v52 =	vadd.s32 $0x320, v8  }
0x15d: {  	v53 =	vadd.s32 $0x330, v8  }
0x15e: {  	v54 =	vadd.s32 $0x340, v8  }
0x15f: {  	v55 =	vadd.s32 $0x350, v8  }
0x160: {  	v56 =	vadd.s32 $0x360, v8;
	v11 =	vld.idx.msk [tilespmem:v51+s15+$0x0], $0xffff  }
0x161: {  	v57 =	vadd.s32 $0x370, v8;
	v12 =	vld.idx.msk [tilespmem:v52+s15+$0x0], $0xffff  }
0x162: {  	v58 =	vadd.s32 $0x390, v8;
	v13 =	vld.idx.msk [tilespmem:v53+s15+$0x0], $0xffff  }
0x163: {  	v59 =	vadd.s32 $0x3A0, v8;
	v14 =	vld.idx.msk [tilespmem:v54+s15+$0x0], $0xffff  }
0x164: {  	v60 =	vadd.s32 $0x3B0, v8;
	v15 =	vld.idx.msk [tilespmem:v55+s15+$0x0], $0xffff  }
0x165: {  	v61 =	vadd.s32 $0x3C0, v8;
	v16 =	vld.idx.msk [tilespmem:v56+s15+$0x0], $0xffff  }
0x166: {  	v62 =	vadd.s32 $0x3D0, v8;
	v17 =	vld.idx.msk [tilespmem:v57+s15+$0x0], $0xffff  }
0x167: {  	v63 =	vadd.s32 $0x3E0, v8;
	v18 =	vld.idx.msk [tilespmem:v58+s15+$0x0], $0xffff  }
0x168: {  	v49 =	vand.u32 $0xFFFFFF80, v8;
	v8 =	vadd.s32 $0x3F0, v8;
	v19 =	vld.idx.msk [tilespmem:v59+s15+$0x0], $0xffff  }
0x169: {  	v50 =	vadd.s32 v6, v49;
	v20 =	vld.idx.msk [tilespmem:v60+s15+$0x0], $0xffff  }
0x16a: {  	v9 =	vadd.s32 v7, v49;
	v21 =	vld.idx.msk [tilespmem:v61+s15+$0x0], $0xffff  }
0x16b: {  	v22 =	vld.idx.msk [tilespmem:v62+s15+$0x0], $0xffff  }
0x16c: {  	v23 =	vld.idx.msk [tilespmem:v63+s15+$0x0], $0xffff  }
0x16d: {  	v8 =	vld.idx.msk [tilespmem:v8+s15+$0x0], $0xffff  }
0x16e: {  	s8 =	sor.u32 s0, s31;
	v10 =	vld.idx.msk [tilespmem:v50+s15+$0x0], $0xffff  }
0x16f: {  	v9 =	vld.idx.msk [tilespmem:v9+s15+$0x0], $0xffff;
	[tilespmem:s8+$0x80] =	vst v11  }
0x170: {  	[tilespmem:s8+$0x100] =	vst v12  }
0x171: {  	[tilespmem:s8+$0x180] =	vst v13  }
0x172: {  	[tilespmem:s8+$0x200] =	vst v14  }
0x173: {  	s1 =	sadd.s32 $0x10, s1;
	[tilespmem:s8+$0x280] =	vst v15  }
0x174: {  	s30 =	sor.u32 $0x300, s1;
	[tilespmem:s8+$0x0] =	vst v10  }
0x175: {  	s1 =	sor.u32 $0x380, s1;
	[tilespmem:s30+$0xB080] =	vst v16  }
0x176: {  	s31 =	sor.u32 s0, s13;
	[tilespmem:s1+$0xB080] =	vst v17  }
0x177: {  	s4 =	sor.u32 s0, s4;
	[tilespmem:s31+$0x0] =	vst v9  }
0x178: {  	s26 =	sadd.s32 $0x2, s26;
	s7 =	sor.u32 s0, s5;
	[tilespmem:s4+$0x0] =	vst v18  }
0x179: {  	p0 =	slt.u32 s26, $0x7E;
	s8 =	sor.u32 s0, s6;
	[tilespmem:s7+$0x0] =	vst v19  }
.Ltmp5:
0x17a: {  	s13 =	sor.u32 s0, s12;
	[tilespmem:s8+$0x0] =	vst v20;
	(pc) =	sbr.rel @p0 .LBB2_12-.Ltmp5, $4  }
0x17b: {  	s30 =	sor.u32 s0, s14;
	[tilespmem:s13+$0x0] =	vst v21  }
0x17c: {  	s31 =	sor.u32 s0, s2;
	[tilespmem:s30+$0x0] =	vst v22  }
0x17d: {  	s0 =	sor.u32 s0, s21;
	[tilespmem:s31+$0x0] =	vst v23  }
0x17e: {  	s28 =	sadd.s32 $0x1, s28;
	s25 =	sadd.s32 $0x20, s25;
	s29 =	sadd.s32 $0x100, s29;
	[tilespmem:s0+$0x0] =	vst v8  }
0x17f: {  	p0 =	sne.s32 s23, $0x20  }
.Ltmp6:
0x180: {  	_ = 	snop;
	(pc) =	sbr.rel @p0 .LBB2_2-.Ltmp6, $3  }
0x181: {  	_ =	sdelay $0x1  }
0x182: {  	s0 =	sadd.s32 s24, s11;
	s22 =	sadd.s32 $0x800, s22  }
0x183: {  	[hbm4b:s0+s3] =	stream.linear.scatter [tilespmem:s18], [sflag:$0x2], $0x8000, $0x38;
	[tilespmem:$0x13080] =	vst v63  }
0x184: {  	_ =	swait.ge [sflag:s19], $0x8000  }
0x185: {  	[sflag:s19] =	ssyncset.done $0x0  }
0x186: {  	[sflag:s19] =	ssyncadd.s32 $0xFFFF8000  }
0x187: {  	_ =	swait.ge [sflag:s20], $0x8000  }
0x188: {  	s1 =	rddreg [dreg:$0x9]  }
0x189: {  	s0 =	rddreg [dreg:$0x8];
	s1 =	sadd.s32 $0x1, s1  }
0x18a: {  	p0 =	sne.s32 s1, s0  }
.Ltmp7:
0x18b: {  	_ = 	snop;
	(pc) =	sbr.rel @p0 .LBB2_1-.Ltmp7, $3  }
0x18c: {  	_ =	sdelay $0x1  }
0x18d: {  	[sflag:s20] =	ssyncset.done $0x0  }
0x18e: {  	[sflag:s20] =	ssyncadd.s32 $0xFFFF8000  }
0x18f: {  	_ =	sfence.sel $0x180000  }
0x190: {  	[bflag:$0x0] =	sbarrier.arrive $0xFFFF  }
0x191: {  	_ =	strace $0x90000047  }
0x192: {  	s0 =	stileid.u32;
	[bflag:$0x2] =	sbarrier.arrive $0xFFFF  }
0x193: {  	p0 =	sne.s32 s0, $0x0;
	s0 =	rddreg [dreg:$0x2]  }
0x194: {  	s0 =	sadd.s32 @!p0 $0x100000, s0  }
0x195: {  	[sflag:s0] =	ssyncadd.tile.s32 @!p0 $0x1;
	_ =	shalt  }
.Lfunc_end2:
_tile_overlayer_lowered:
.L_overlay_start_2:
0x196: {  	(tag) =	ssettag $0x2  }
0x197: {  	s0 =	rddreg [dreg:$0x0];
	s2 =	stileid.u32  }
0x198: {  	s1 =	rddreg [dreg:$0x1];
	p0 =	sne.s32 s2, $0x0  }
0x199: {  	s3 =	rddreg [dreg:$0x2];
	[bflag:$0x3] =	sbarrier.arrive $0xFFFF;
	s2 =	simm.s32 @!p0 $0x1C04  }
0x19a: {  	[timem:s3], [sflag:s2] =	dma.local @!p0 [hbm:s0], s1  }
0x19b: {  	s0 =	simm.s32 @!p0 $0x4  }
0x19c: {  	_ =	swait.ge @!p0 [sflag:s0], s1  }
0x19d: {  	s1 =	ssub.s32 @!p0 $0x0, s1;
	[sflag:s0] =	ssyncset.done @!p0 $0x0  }
0x19e: {  	[sflag:s0] =	ssyncadd.s32 @!p0 s1  }
0x19f: {  	[bflag:$0x3] =	sbarrier.arrive $0xFFFF  }
0x1a0: {  	_ =	shalt  }

</sc_bundles>
